<compile_context>
chip_gen: v7x
topology: tpu7x:2x2x1
jax: 0.10.2.dev20260603
libtpu: 0.0.44.dev20260713+nightly
codegen_flags: <defaults>
</compile_context>

<pallas_src>
import math

import jax
import jax.numpy as jnp
from jax import lax
from jax.experimental import pallas as pl
from jax.experimental.pallas import tpu as pltpu
from jax.experimental.pallas import tpu_sc as plsc

_NUM_LEVELS = 16
_FEATS = 2
_TABLE = 2 ** 19
_MASK = _TABLE - 1
_MIN_RES = 16
_MAX_RES = 512
_P1 = 1540863
_P2 = 1256879
_P3 = 1957123

_GROWTH = math.exp(math.log(_MAX_RES / _MIN_RES) / (_NUM_LEVELS - 1))
_RES = [int(math.floor(_MIN_RES * _GROWTH ** l + 1e-06)) for l in range(_NUM_LEVELS)]

_CORNERS = [(ox, oy, oz) for ox in (0, 1) for oy in (0, 1) for oz in (0, 1)]

_NC = 2
_NS = 16
_NW = _NC * _NS

_C = 1024
_G = _C // 16
_E = _C * 8
_SEG = _TABLE // _NS
_SUB = 4
_ESUB = 2 * _SEG // _SUB


def _vdup(v, idx):
    dn = lax.GatherDimensionNumbers(
        offset_dims=(), collapsed_slice_dims=(0,), start_index_map=(0,))
    return lax.gather(v, idx[:, None], dn, (1,),
                      mode=lax.GatherScatterMode.PROMISE_IN_BOUNDS)


def _hash_grid_sc(x2d, tab_flat, n_points):
    per_w = n_points // _NW
    n_chunks = per_w // _C

    mesh = plsc.VectorSubcoreMesh(core_axis_name="c", subcore_axis_name="s")

    def body(x_hbm, tab_hbm, res_hbm, out_hbm, x_v, res_v, idx_v, w_v, rows_v,
             outb0_v, outb1_v, pk_v, pko_v, spm_v, sem):
        wid = lax.axis_index("s") * _NC + lax.axis_index("c")
        wbase = wid * per_w
        sid = lax.axis_index("s")

        pltpu.sync_copy(res_hbm, res_v)
        resvec = res_v[...]

        def level_body(l, _carry):
            plsc.subcore_barrier()

            def stage_sub(s, _):
                eoff = l * (2 * _TABLE) + sid * (2 * _SEG) + s * _ESUB
                pltpu.sync_copy(tab_hbm.at[pl.ds(eoff, _ESUB)], pk_v)

                def pack_rb(b, _):
                    for t in range(8):
                        v0 = pk_v[pl.ds(b * 256 + t * 16, 16)]
                        v1 = pk_v[pl.ds(b * 256 + 128 + t * 16, 16)]
                        u0 = lax.bitcast_convert_type(v0, jnp.uint32)
                        u1 = lax.bitcast_convert_type(v1, jnp.uint32)
                        half = jnp.uint32(0x8000)
                        hi = jnp.uint32(0xFFFF0000)
                        p = ((u0 + half) >> 16) | ((u1 + half) & hi)
                        pko_v[pl.ds(b * 128 + t * 16, 16)] = p
                    return 0

                lax.fori_loop(0, _ESUB // 256, pack_rb, 0)
                soff = sid * _SEG + s * (_ESUB // 2)
                pltpu.sync_copy(pko_v, spm_v.at[pl.ds(soff, _ESUB // 2)])
                return 0

            lax.fori_loop(0, _SUB, stage_sub, 0)
            plsc.subcore_barrier()

            resb = _vdup(resvec, jnp.full((16,), l, dtype=jnp.int32))

            def phase1(c):
                par = c & 1
                ib = par * _E

                def index_group(g, _):
                    col = (c & 1) * _C + g * 16
                    xv = x_v[0, pl.ds(col, 16)]
                    yv = x_v[1, pl.ds(col, 16)]
                    zv = x_v[2, pl.ds(col, 16)]
                    px = xv * resb
                    py = yv * resb
                    pz = zv * resb
                    ix0 = px.astype(jnp.int32)
                    iy0 = py.astype(jnp.int32)
                    iz0 = pz.astype(jnp.int32)
                    fx = px - ix0.astype(jnp.float32)
                    fy = py - iy0.astype(jnp.float32)
                    fz = pz - iz0.astype(jnp.float32)
                    hx = (ix0 * _P1, ix0 * _P1 + _P1)
                    hy = (iy0 * _P2, iy0 * _P2 + _P2)
                    hz = (iz0 * _P3, iz0 * _P3 + _P3)
                    wx = (1.0 - fx, fx)
                    wy = (1.0 - fy, fy)
                    wz = (1.0 - fz, fz)
                    for j, (ox, oy, oz) in enumerate(_CORNERS):
                        h = (hx[ox] ^ hy[oy]) ^ hz[oz]
                        off = ib + (g * 8 + j) * 16
                        idx_v[pl.ds(off, 16)] = h & _MASK
                        w_v[pl.ds(off, 16)] = (wx[ox] * wy[oy]) * wz[oz]
                    return 0

                lax.fori_loop(0, _G, index_group, 0, unroll=2)

            def gather_refs(c):
                par = c & 1
                return (spm_v.at[idx_v.at[pl.ds(par * _E, _E)]],
                        rows_v.at[pl.ds(par * _E, _E)])

            def fire(c):
                src, dst = gather_refs(c)
                pltpu.async_copy(src, dst, sem)

            def wait_g(c):
                src, dst = gather_refs(c)
                pltpu.make_async_copy(src, dst, sem).wait()

            def phase3(c):
                par = c & 1
                ib = par * _E
                hi = jnp.uint32(0xFFFF0000)

                def acc_group(g, _):
                    acc0 = None
                    acc1 = None
                    for j in range(8):
                        off = ib + (g * 8 + j) * 16
                        u = rows_v[pl.ds(off, 16)]
                        f0 = lax.bitcast_convert_type(u << 16, jnp.float32)
                        f1 = lax.bitcast_convert_type(u & hi, jnp.float32)
                        wj = w_v[pl.ds(off, 16)]
                        if acc0 is None:
                            acc0 = wj * f0
                            acc1 = wj * f1
                        else:
                            acc0 = acc0 + wj * f0
                            acc1 = acc1 + wj * f1
                    outb0_v[pl.ds(g * 16, 16)] = acc0
                    outb1_v[pl.ds(g * 16, 16)] = acc1
                    return 0

                lax.fori_loop(0, _G, acc_group, 0, unroll=2)
                pbase = wbase + c * _C
                obase = (2 * l) * n_points + pbase
                pltpu.sync_copy(outb0_v, out_hbm.at[pl.ds(obase, _C)])
                obase1 = (2 * l + 1) * n_points + pbase
                pltpu.sync_copy(outb1_v, out_hbm.at[pl.ds(obase1, _C)])

            def chunk_body(c, carry):
                pl.when((c & 1) == 0)(lambda: pltpu.sync_copy(
                    x_hbm.at[:, pl.ds(wbase + (c >> 1) * (2 * _C), 2 * _C)], x_v))
                phase1(c)
                pl.when(c > 0)(lambda: wait_g(c - 1))
                fire(c)
                pl.when(c > 0)(lambda: phase3(c - 1))
                return carry

            lax.fori_loop(0, n_chunks, chunk_body, 0)
            wait_g(n_chunks - 1)
            phase3(n_chunks - 1)
            return _carry

        lax.fori_loop(0, _NUM_LEVELS, level_body, 0)

    kern = pl.kernel(
        body,
        out_type=jax.ShapeDtypeStruct((_NUM_LEVELS * _FEATS * n_points,),
                                      jnp.float32),
        mesh=mesh,
        scratch_types=[
            pltpu.VMEM((3, 2 * _C), jnp.float32),
            pltpu.VMEM((16,), jnp.float32),
            pltpu.VMEM((2 * _E,), jnp.int32),
            pltpu.VMEM((2 * _E,), jnp.float32),
            pltpu.VMEM((2 * _E,), jnp.uint32),
            pltpu.VMEM((_C,), jnp.float32),
            pltpu.VMEM((_C,), jnp.float32),
            pltpu.VMEM((_ESUB,), jnp.float32),
            pltpu.VMEM((_ESUB // 2,), jnp.uint32),
            pltpu.VMEM_SHARED((_TABLE,), jnp.uint32),
            pltpu.SemaphoreType.DMA,
        ],
        compiler_params=pltpu.CompilerParams(needs_layout_passes=False),
    )
    res_arr = jnp.asarray([float(r) for r in _RES], dtype=jnp.float32)
    return kern(x2d, tab_flat, res_arr)


def kernel(x01, tables):
    n = x01.shape[0]
    x2d = x01.T
    tab_flat = tables.reshape(_NUM_LEVELS, _TABLE // 128, 128, _FEATS)
    tab_flat = tab_flat.transpose(0, 1, 3, 2).reshape(-1)
    out = _hash_grid_sc(x2d, tab_flat, n)
    return out.reshape(_NUM_LEVELS * _FEATS, n).T

# --- scband reference (transcript-rebuilt; emitter-appended) ---
"""Pipeline reference for scband-hash-grid-encoder3-d-16664473109143 (READ-ONLY COPY).

The authoritative reference and input builder live on the scoring server;
editing this copy changes nothing except your own understanding.
"""

import jax, jax.numpy as jnp
import numpy as np
import math

NUM_LEVELS = 16
FEATS = 2
TABLE = 2 ** 19
MIN_RES = 16
MAX_RES = 512
P1 = 1540863
P2 = 1256879
P3 = 1957123
OFFSETS = jnp.array([[0, 0, 0], [0, 0, 1], [0, 1, 0], [0, 1, 1], [1, 0, 0], [1, 0, 1], [1, 1, 0], [1, 1, 1]], dtype=jnp.int32)


def setup_inputs(seed: int = 0) -> dict:
    key = jax.random.key(seed)
    k1, k2 = jax.random.split(key)
    x01 = jax.random.uniform(k1, (524288, 3), dtype=jnp.float32)
    tables = jax.random.uniform(k2, (NUM_LEVELS, TABLE, FEATS), minval=-1e-4, maxval=1e-4, dtype=jnp.float32)
    return {"x01": x01, "tables": tables}


def reference(x01, tables):
    growth = 1.0 if NUM_LEVELS == 1 else math.exp(math.log(MAX_RES / MIN_RES) / (NUM_LEVELS - 1))
    x = jnp.clip(x01, 0.0, 1.0).astype(jnp.float32)
    feats = []
    for lvl in range(NUM_LEVELS):
        res = int(math.floor(MIN_RES * growth ** lvl + 1e-06))
        pos = x * float(res)
        i0 = jnp.floor(pos).astype(jnp.int32)
        f = pos - i0.astype(pos.dtype)
        corners = i0[:, None, :] + OFFSETS[None, :, :]
        fx, fy, fz = f[:, 0:1], f[:, 1:2], f[:, 2:3]
        ox = OFFSETS[:, 0][None, :]
        oy = OFFSETS[:, 1][None, :]
        oz = OFFSETS[:, 2][None, :]
        wx = jnp.where(ox == 0, 1.0 - fx, fx)
        wy = jnp.where(oy == 0, 1.0 - fy, fy)
        wz = jnp.where(oz == 0, 1.0 - fz, fz)
        w = wx * wy * wz
        ix = corners[:, :, 0]
        iy = corners[:, :, 1]
        iz = corners[:, :, 2]
        h = (ix * P1) ^ (iy * P2) ^ (iz * P3)
        idx = jnp.remainder(h, TABLE)
        emb = jnp.take(tables[lvl], idx, axis=0)
        feats.append(jnp.sum(emb * w[:, :, None], axis=1))
    return jnp.concatenate(feats, axis=-1)

if __name__ == "__main__":
    import jax
    _d = setup_inputs()
    print(jax.jit(kernel)(*tuple(_d.values())))

</pallas_src>

<mosaic_0001>
#map = affine_map<(d0, d1) -> (0, 0)>
#map1 = affine_map<(d0, d1) -> (0)>
module attributes {stable_mosaic.version = 14 : i64} {
  func.func @body(%arg0: i32, %arg1: i32, %arg2: memref<3x524288xf32, #tpu.memory_space<hbm>>, %arg3: memref<16777216xf32, #tpu.memory_space<hbm>>, %arg4: memref<16xf32, #tpu.memory_space<hbm>>, %arg5: memref<16777216xf32, #tpu.memory_space<hbm>>, %arg6: memref<3x2048xf32, #tpu.memory_space<vmem>>, %arg7: memref<16xf32, #tpu.memory_space<vmem>>, %arg8: memref<16384xi32, #tpu.memory_space<vmem>>, %arg9: memref<16384xf32, #tpu.memory_space<vmem>>, %arg10: memref<16384xi32, #tpu.memory_space<vmem>>, %arg11: memref<1024xf32, #tpu.memory_space<vmem>>, %arg12: memref<1024xf32, #tpu.memory_space<vmem>>, %arg13: memref<16384xf32, #tpu.memory_space<vmem>>, %arg14: memref<8192xi32, #tpu.memory_space<vmem>>, %arg15: memref<524288xi32, #tpu.memory_space<vmem_shared>>, %arg16: memref<!tpu.dma_semaphore, #tpu.memory_space<semaphore_mem>>) attributes {dimension_semantics = [#tpu.dimension_semantics<core_parallel>, #tpu.dimension_semantics<subcore_parallel>], iteration_bounds = array<i64: 2, 16>, scalar_prefetch = 0 : i64, scratch_operands = 11 : i64, tpu.core_type = #tpu.core_type<sc_vector_subcore>, window_params = [{transform_indices = #map}, {transform_indices = #map1}, {transform_indices = #map1}, {transform_indices = #map1}]} {
    %mul3A = arith.constant 2 : i32
    %mul3A_0 = arith.muli %arg1, %mul3A : i32
    %add3A = arith.addi %mul3A_0, %arg0 : i32
    %mul3A_1 = arith.constant 16384 : i32
    %mul3A_2 = arith.muli %add3A, %mul3A_1 : i32
    "tpu.region"() ({
      %run_scoped3A = tpu.sem_alloc : memref<!tpu.dma_semaphore, #tpu.memory_space<semaphore_mem>>
      tpu.enqueue_dma source(%arg4 : memref<16xf32, #tpu.memory_space<hbm>>) target(%arg7 : memref<16xf32, #tpu.memory_space<vmem>>) target_semaphore(%run_scoped3A : memref<!tpu.dma_semaphore, #tpu.memory_space<semaphore_mem>>)
      tpu.wait_dma2 semaphore(%run_scoped3A : memref<!tpu.dma_semaphore, #tpu.memory_space<semaphore_mem>>) src(%arg4 : memref<16xf32, #tpu.memory_space<hbm>>) dst(%arg7 : memref<16xf32, #tpu.memory_space<vmem>>)
      tpu.yield
    }) : () -> ()
    %get3A = arith.constant 0 : index
    %get3A_3 = tpu.vector_load %arg7[%get3A] {strides = array<i32>} : memref<16xf32, #tpu.memory_space<vmem>>, vector<16xf32>,
    %scan3A = arith.constant 0 : i32
    %scan3A_4 = arith.constant 0 : i32
    %scan3A_5 = arith.constant 16 : i32
    %scan3A_6 = arith.addi %scan3A_4, %scan3A_5 : i32
    %scan3A_7 = arith.constant 1 : i32
    scf.for %scan3A_9 = %scan3A_4 to %scan3A_6 step %scan3A_7  : i32 {
      %barrier3A = arith.constant 0 : index
      tpu.barrier barrier_id(%barrier3A)
      %scan3A_10 = arith.constant 0 : i32
      %scan3A_11 = arith.constant 0 : i32
      %scan3A_12 = arith.constant 4 : i32
      %scan3A_13 = arith.addi %scan3A_11, %scan3A_12 : i32
      %scan3A_14 = arith.constant 1 : i32
      %scan3A_15 = scf.for %scan3A_53 = %scan3A_11 to %scan3A_13 step %scan3A_14 iter_args(%scan3A_54 = %scan3A_10) -> (i32)  : i32 {
        %mul3A_55 = arith.constant 1048576 : i32
        %mul3A_56 = arith.muli %scan3A_9, %mul3A_55 : i32
        %mul3A_57 = arith.constant 65536 : i32
        %mul3A_58 = arith.muli %arg1, %mul3A_57 : i32
        %add3A_59 = arith.addi %mul3A_56, %mul3A_58 : i32
        %mul3A_60 = arith.constant 16384 : i32
        %mul3A_61 = arith.muli %scan3A_53, %mul3A_60 : i32
        %add3A_62 = arith.addi %add3A_59, %mul3A_61 : i32
        "tpu.region"() ({
          %run_scoped3A = tpu.sem_alloc : memref<!tpu.dma_semaphore, #tpu.memory_space<semaphore_mem>>
          %dma_start3A = tpu.memref_slice %arg3[%add3A_62] : memref<16777216xf32, #tpu.memory_space<hbm>> -> memref<16384xf32, #tpu.memory_space<hbm>>
          %dma_start3A_76 = tpu.memref_slice %arg3[%add3A_62] : memref<16777216xf32, #tpu.memory_space<hbm>> -> memref<16384xf32, #tpu.memory_space<hbm>>
          tpu.enqueue_dma source(%dma_start3A_76 : memref<16384xf32, #tpu.memory_space<hbm>>) target(%arg13 : memref<16384xf32, #tpu.memory_space<vmem>>) target_semaphore(%run_scoped3A : memref<!tpu.dma_semaphore, #tpu.memory_space<semaphore_mem>>)
          %dma_wait3A_77 = tpu.memref_slice %arg3[%add3A_62] : memref<16777216xf32, #tpu.memory_space<hbm>> -> memref<16384xf32, #tpu.memory_space<hbm>>
          %dma_wait3A_78 = tpu.memref_slice %arg3[%add3A_62] : memref<16777216xf32, #tpu.memory_space<hbm>> -> memref<16384xf32, #tpu.memory_space<hbm>>
          tpu.wait_dma2 semaphore(%run_scoped3A : memref<!tpu.dma_semaphore, #tpu.memory_space<semaphore_mem>>) src(%dma_wait3A_78 : memref<16384xf32, #tpu.memory_space<hbm>>) dst(%arg13 : memref<16384xf32, #tpu.memory_space<vmem>>)
          tpu.yield
        }) : () -> ()
        %scan3A_63 = arith.constant 0 : i32
        %scan3A_64 = arith.constant 0 : i32
        %scan3A_65 = arith.constant 64 : i32
        %scan3A_66 = arith.addi %scan3A_64, %scan3A_65 : i32
        %scan3A_67 = arith.constant 1 : i32
        %scan3A_68 = scf.for %scan3A_76 = %scan3A_64 to %scan3A_66 step %scan3A_67 iter_args(%scan3A_77 = %scan3A_63) -> (i32)  : i32 {
          %mul3A_78 = arith.constant 256 : i32
          %mul3A_79 = arith.muli %scan3A_76, %mul3A_78 : i32
          %add3A_80 = arith.constant 0 : i32
          %add3A_81 = arith.addi %mul3A_79, %add3A_80 : i32
          %get3A_82 = arith.index_cast %add3A_81 : i32 to index
          %get3A_83 = tpu.vector_load %arg13[%get3A_82] {strides = array<i32>} : memref<16384xf32, #tpu.memory_space<vmem>>, vector<16xf32>,
          %mul3A_84 = arith.constant 256 : i32
          %mul3A_85 = arith.muli %scan3A_76, %mul3A_84 : i32
          %add3A_86 = arith.constant 128 : i32
          %add3A_87 = arith.addi %mul3A_85, %add3A_86 : i32
          %add3A_88 = arith.constant 0 : i32
          %add3A_89 = arith.addi %add3A_87, %add3A_88 : i32
          %get3A_90 = arith.index_cast %add3A_89 : i32 to index
          %get3A_91 = tpu.vector_load %arg13[%get3A_90] {strides = array<i32>} : memref<16384xf32, #tpu.memory_space<vmem>>, vector<16xf32>,
          %bitcast_convert_type3A = tpu.bitcast %get3A_83 : vector<16xf32> -> vector<16xi32>
          %bitcast_convert_type3A_92 = tpu.bitcast %get3A_91 : vector<16xf32> -> vector<16xi32>
          %add3A_93 = arith.constant 32768 : i32
          %add3A_94 = vector.broadcast %add3A_93 : i32 to vector<16xi32>
          %add3A_95 = arith.addi %bitcast_convert_type3A, %add3A_94 : vector<16xi32>
          %shift_right_logical3A = arith.constant 16 : i32
          %shift_right_logical3A_96 = vector.broadcast %shift_right_logical3A : i32 to vector<16xi32>
          %shift_right_logical3A_97 = arith.shrui %add3A_95, %shift_right_logical3A_96 : vector<16xi32>
          %add3A_98 = arith.constant 32768 : i32
          %add3A_99 = vector.broadcast %add3A_98 : i32 to vector<16xi32>
          %add3A_100 = arith.addi %bitcast_convert_type3A_92, %add3A_99 : vector<16xi32>
          %and3A = arith.constant -65536 : i32
          %and3A_101 = vector.broadcast %and3A : i32 to vector<16xi32>
          %and3A_102 = arith.andi %add3A_100, %and3A_101 : vector<16xi32>
          %or3A = arith.ori %shift_right_logical3A_97, %and3A_102 : vector<16xi32>
          %mul3A_103 = arith.constant 128 : i32
          %mul3A_104 = arith.muli %scan3A_76, %mul3A_103 : i32
          %add3A_105 = arith.constant 0 : i32
          %add3A_106 = arith.addi %mul3A_104, %add3A_105 : i32
          %swap3A = arith.index_cast %add3A_106 : i32 to index
          %swap3A_107 = tpu.vector_load %arg14[%swap3A] {strides = array<i32>} : memref<8192xi32, #tpu.memory_space<vmem>>, vector<16xi32>,
          tpu.vector_store %arg14[%swap3A], %or3A {strides = array<i32>} : memref<8192xi32, #tpu.memory_space<vmem>>, vector<16xi32>,
          %mul3A_108 = arith.constant 256 : i32
          %mul3A_109 = arith.muli %scan3A_76, %mul3A_108 : i32
          %add3A_110 = arith.constant 16 : i32
          %add3A_111 = arith.addi %mul3A_109, %add3A_110 : i32
          %get3A_112 = arith.index_cast %add3A_111 : i32 to index
          %get3A_113 = tpu.vector_load %arg13[%get3A_112] {strides = array<i32>} : memref<16384xf32, #tpu.memory_space<vmem>>, vector<16xf32>,
          %mul3A_114 = arith.constant 256 : i32
          %mul3A_115 = arith.muli %scan3A_76, %mul3A_114 : i32
          %add3A_116 = arith.constant 128 : i32
          %add3A_117 = arith.addi %mul3A_115, %add3A_116 : i32
          %add3A_118 = arith.constant 16 : i32
          %add3A_119 = arith.addi %add3A_117, %add3A_118 : i32
          %get3A_120 = arith.index_cast %add3A_119 : i32 to index
          %get3A_121 = tpu.vector_load %arg13[%get3A_120] {strides = array<i32>} : memref<16384xf32, #tpu.memory_space<vmem>>, vector<16xf32>,
          %bitcast_convert_type3A_122 = tpu.bitcast %get3A_113 : vector<16xf32> -> vector<16xi32>
          %bitcast_convert_type3A_123 = tpu.bitcast %get3A_121 : vector<16xf32> -> vector<16xi32>
          %add3A_124 = arith.constant 32768 : i32
          %add3A_125 = vector.broadcast %add3A_124 : i32 to vector<16xi32>
          %add3A_126 = arith.addi %bitcast_convert_type3A_122, %add3A_125 : vector<16xi32>
          %shift_right_logical3A_127 = arith.constant 16 : i32
          %shift_right_logical3A_128 = vector.broadcast %shift_right_logical3A_127 : i32 to vector<16xi32>
          %shift_right_logical3A_129 = arith.shrui %add3A_126, %shift_right_logical3A_128 : vector<16xi32>
          %add3A_130 = arith.constant 32768 : i32
          %add3A_131 = vector.broadcast %add3A_130 : i32 to vector<16xi32>
          %add3A_132 = arith.addi %bitcast_convert_type3A_123, %add3A_131 : vector<16xi32>
          %and3A_133 = arith.constant -65536 : i32
          %and3A_134 = vector.broadcast %and3A_133 : i32 to vector<16xi32>
          %and3A_135 = arith.andi %add3A_132, %and3A_134 : vector<16xi32>
          %or3A_136 = arith.ori %shift_right_logical3A_129, %and3A_135 : vector<16xi32>
          %mul3A_137 = arith.constant 128 : i32
          %mul3A_138 = arith.muli %scan3A_76, %mul3A_137 : i32
          %add3A_139 = arith.constant 16 : i32
          %add3A_140 = arith.addi %mul3A_138, %add3A_139 : i32
          %swap3A_141 = arith.index_cast %add3A_140 : i32 to index
          %swap3A_142 = tpu.vector_load %arg14[%swap3A_141] {strides = array<i32>} : memref<8192xi32, #tpu.memory_space<vmem>>, vector<16xi32>,
          tpu.vector_store %arg14[%swap3A_141], %or3A_136 {strides = array<i32>} : memref<8192xi32, #tpu.memory_space<vmem>>, vector<16xi32>,
          %mul3A_143 = arith.constant 256 : i32
          %mul3A_144 = arith.muli %scan3A_76, %mul3A_143 : i32
          %add3A_145 = arith.constant 32 : i32
          %add3A_146 = arith.addi %mul3A_144, %add3A_145 : i32
          %get3A_147 = arith.index_cast %add3A_146 : i32 to index
          %get3A_148 = tpu.vector_load %arg13[%get3A_147] {strides = array<i32>} : memref<16384xf32, #tpu.memory_space<vmem>>, vector<16xf32>,
          %mul3A_149 = arith.constant 256 : i32
          %mul3A_150 = arith.muli %scan3A_76, %mul3A_149 : i32
          %add3A_151 = arith.constant 128 : i32
          %add3A_152 = arith.addi %mul3A_150, %add3A_151 : i32
          %add3A_153 = arith.constant 32 : i32
          %add3A_154 = arith.addi %add3A_152, %add3A_153 : i32
          %get3A_155 = arith.index_cast %add3A_154 : i32 to index
          %get3A_156 = tpu.vector_load %arg13[%get3A_155] {strides = array<i32>} : memref<16384xf32, #tpu.memory_space<vmem>>, vector<16xf32>,
          %bitcast_convert_type3A_157 = tpu.bitcast %get3A_148 : vector<16xf32> -> vector<16xi32>
          %bitcast_convert_type3A_158 = tpu.bitcast %get3A_156 : vector<16xf32> -> vector<16xi32>
          %add3A_159 = arith.constant 32768 : i32
          %add3A_160 = vector.broadcast %add3A_159 : i32 to vector<16xi32>
          %add3A_161 = arith.addi %bitcast_convert_type3A_157, %add3A_160 : vector<16xi32>
          %shift_right_logical3A_162 = arith.constant 16 : i32
          %shift_right_logical3A_163 = vector.broadcast %shift_right_logical3A_162 : i32 to vector<16xi32>
          %shift_right_logical3A_164 = arith.shrui %add3A_161, %shift_right_logical3A_163 : vector<16xi32>
          %add3A_165 = arith.constant 32768 : i32
          %add3A_166 = vector.broadcast %add3A_165 : i32 to vector<16xi32>
          %add3A_167 = arith.addi %bitcast_convert_type3A_158, %add3A_166 : vector<16xi32>
          %and3A_168 = arith.constant -65536 : i32
          %and3A_169 = vector.broadcast %and3A_168 : i32 to vector<16xi32>
          %and3A_170 = arith.andi %add3A_167, %and3A_169 : vector<16xi32>
          %or3A_171 = arith.ori %shift_right_logical3A_164, %and3A_170 : vector<16xi32>
          %mul3A_172 = arith.constant 128 : i32
          %mul3A_173 = arith.muli %scan3A_76, %mul3A_172 : i32
          %add3A_174 = arith.constant 32 : i32
          %add3A_175 = arith.addi %mul3A_173, %add3A_174 : i32
          %swap3A_176 = arith.index_cast %add3A_175 : i32 to index
          %swap3A_177 = tpu.vector_load %arg14[%swap3A_176] {strides = array<i32>} : memref<8192xi32, #tpu.memory_space<vmem>>, vector<16xi32>,
          tpu.vector_store %arg14[%swap3A_176], %or3A_171 {strides = array<i32>} : memref<8192xi32, #tpu.memory_space<vmem>>, vector<16xi32>,
          %mul3A_178 = arith.constant 256 : i32
          %mul3A_179 = arith.muli %scan3A_76, %mul3A_178 : i32
          %add3A_180 = arith.constant 48 : i32
          %add3A_181 = arith.addi %mul3A_179, %add3A_180 : i32
          %get3A_182 = arith.index_cast %add3A_181 : i32 to index
          %get3A_183 = tpu.vector_load %arg13[%get3A_182] {strides = array<i32>} : memref<16384xf32, #tpu.memory_space<vmem>>, vector<16xf32>,
          %mul3A_184 = arith.constant 256 : i32
          %mul3A_185 = arith.muli %scan3A_76, %mul3A_184 : i32
          %add3A_186 = arith.constant 128 : i32
          %add3A_187 = arith.addi %mul3A_185, %add3A_186 : i32
          %add3A_188 = arith.constant 48 : i32
          %add3A_189 = arith.addi %add3A_187, %add3A_188 : i32
          %get3A_190 = arith.index_cast %add3A_189 : i32 to index
          %get3A_191 = tpu.vector_load %arg13[%get3A_190] {strides = array<i32>} : memref<16384xf32, #tpu.memory_space<vmem>>, vector<16xf32>,
          %bitcast_convert_type3A_192 = tpu.bitcast %get3A_183 : vector<16xf32> -> vector<16xi32>
          %bitcast_convert_type3A_193 = tpu.bitcast %get3A_191 : vector<16xf32> -> vector<16xi32>
          %add3A_194 = arith.constant 32768 : i32
          %add3A_195 = vector.broadcast %add3A_194 : i32 to vector<16xi32>
          %add3A_196 = arith.addi %bitcast_convert_type3A_192, %add3A_195 : vector<16xi32>
          %shift_right_logical3A_197 = arith.constant 16 : i32
          %shift_right_logical3A_198 = vector.broadcast %shift_right_logical3A_197 : i32 to vector<16xi32>
          %shift_right_logical3A_199 = arith.shrui %add3A_196, %shift_right_logical3A_198 : vector<16xi32>
          %add3A_200 = arith.constant 32768 : i32
          %add3A_201 = vector.broadcast %add3A_200 : i32 to vector<16xi32>
          %add3A_202 = arith.addi %bitcast_convert_type3A_193, %add3A_201 : vector<16xi32>
          %and3A_203 = arith.constant -65536 : i32
          %and3A_204 = vector.broadcast %and3A_203 : i32 to vector<16xi32>
          %and3A_205 = arith.andi %add3A_202, %and3A_204 : vector<16xi32>
          %or3A_206 = arith.ori %shift_right_logical3A_199, %and3A_205 : vector<16xi32>
          %mul3A_207 = arith.constant 128 : i32
          %mul3A_208 = arith.muli %scan3A_76, %mul3A_207 : i32
          %add3A_209 = arith.constant 48 : i32
          %add3A_210 = arith.addi %mul3A_208, %add3A_209 : i32
          %swap3A_211 = arith.index_cast %add3A_210 : i32 to index
          %swap3A_212 = tpu.vector_load %arg14[%swap3A_211] {strides = array<i32>} : memref<8192xi32, #tpu.memory_space<vmem>>, vector<16xi32>,
          tpu.vector_store %arg14[%swap3A_211], %or3A_206 {strides = array<i32>} : memref<8192xi32, #tpu.memory_space<vmem>>, vector<16xi32>,
          %mul3A_213 = arith.constant 256 : i32
          %mul3A_214 = arith.muli %scan3A_76, %mul3A_213 : i32
          %add3A_215 = arith.constant 64 : i32
          %add3A_216 = arith.addi %mul3A_214, %add3A_215 : i32
          %get3A_217 = arith.index_cast %add3A_216 : i32 to index
          %get3A_218 = tpu.vector_load %arg13[%get3A_217] {strides = array<i32>} : memref<16384xf32, #tpu.memory_space<vmem>>, vector<16xf32>,
          %mul3A_219 = arith.constant 256 : i32
          %mul3A_220 = arith.muli %scan3A_76, %mul3A_219 : i32
          %add3A_221 = arith.constant 128 : i32
          %add3A_222 = arith.addi %mul3A_220, %add3A_221 : i32
          %add3A_223 = arith.constant 64 : i32
          %add3A_224 = arith.addi %add3A_222, %add3A_223 : i32
          %get3A_225 = arith.index_cast %add3A_224 : i32 to index
          %get3A_226 = tpu.vector_load %arg13[%get3A_225] {strides = array<i32>} : memref<16384xf32, #tpu.memory_space<vmem>>, vector<16xf32>,
          %bitcast_convert_type3A_227 = tpu.bitcast %get3A_218 : vector<16xf32> -> vector<16xi32>
          %bitcast_convert_type3A_228 = tpu.bitcast %get3A_226 : vector<16xf32> -> vector<16xi32>
          %add3A_229 = arith.constant 32768 : i32
          %add3A_230 = vector.broadcast %add3A_229 : i32 to vector<16xi32>
          %add3A_231 = arith.addi %bitcast_convert_type3A_227, %add3A_230 : vector<16xi32>
          %shift_right_logical3A_232 = arith.constant 16 : i32
          %shift_right_logical3A_233 = vector.broadcast %shift_right_logical3A_232 : i32 to vector<16xi32>
          %shift_right_logical3A_234 = arith.shrui %add3A_231, %shift_right_logical3A_233 : vector<16xi32>
          %add3A_235 = arith.constant 32768 : i32
          %add3A_236 = vector.broadcast %add3A_235 : i32 to vector<16xi32>
          %add3A_237 = arith.addi %bitcast_convert_type3A_228, %add3A_236 : vector<16xi32>
          %and3A_238 = arith.constant -65536 : i32
          %and3A_239 = vector.broadcast %and3A_238 : i32 to vector<16xi32>
          %and3A_240 = arith.andi %add3A_237, %and3A_239 : vector<16xi32>
          %or3A_241 = arith.ori %shift_right_logical3A_234, %and3A_240 : vector<16xi32>
          %mul3A_242 = arith.constant 128 : i32
          %mul3A_243 = arith.muli %scan3A_76, %mul3A_242 : i32
          %add3A_244 = arith.constant 64 : i32
          %add3A_245 = arith.addi %mul3A_243, %add3A_244 : i32
          %swap3A_246 = arith.index_cast %add3A_245 : i32 to index
          %swap3A_247 = tpu.vector_load %arg14[%swap3A_246] {strides = array<i32>} : memref<8192xi32, #tpu.memory_space<vmem>>, vector<16xi32>,
          tpu.vector_store %arg14[%swap3A_246], %or3A_241 {strides = array<i32>} : memref<8192xi32, #tpu.memory_space<vmem>>, vector<16xi32>,
          %mul3A_248 = arith.constant 256 : i32
          %mul3A_249 = arith.muli %scan3A_76, %mul3A_248 : i32
          %add3A_250 = arith.constant 80 : i32
          %add3A_251 = arith.addi %mul3A_249, %add3A_250 : i32
          %get3A_252 = arith.index_cast %add3A_251 : i32 to index
          %get3A_253 = tpu.vector_load %arg13[%get3A_252] {strides = array<i32>} : memref<16384xf32, #tpu.memory_space<vmem>>, vector<16xf32>,
          %mul3A_254 = arith.constant 256 : i32
          %mul3A_255 = arith.muli %scan3A_76, %mul3A_254 : i32
          %add3A_256 = arith.constant 128 : i32
          %add3A_257 = arith.addi %mul3A_255, %add3A_256 : i32
          %add3A_258 = arith.constant 80 : i32
          %add3A_259 = arith.addi %add3A_257, %add3A_258 : i32
          %get3A_260 = arith.index_cast %add3A_259 : i32 to index
          %get3A_261 = tpu.vector_load %arg13[%get3A_260] {strides = array<i32>} : memref<16384xf32, #tpu.memory_space<vmem>>, vector<16xf32>,
          %bitcast_convert_type3A_262 = tpu.bitcast %get3A_253 : vector<16xf32> -> vector<16xi32>
          %bitcast_convert_type3A_263 = tpu.bitcast %get3A_261 : vector<16xf32> -> vector<16xi32>
          %add3A_264 = arith.constant 32768 : i32
          %add3A_265 = vector.broadcast %add3A_264 : i32 to vector<16xi32>
          %add3A_266 = arith.addi %bitcast_convert_type3A_262, %add3A_265 : vector<16xi32>
          %shift_right_logical3A_267 = arith.constant 16 : i32
          %shift_right_logical3A_268 = vector.broadcast %shift_right_logical3A_267 : i32 to vector<16xi32>
          %shift_right_logical3A_269 = arith.shrui %add3A_266, %shift_right_logical3A_268 : vector<16xi32>
          %add3A_270 = arith.constant 32768 : i32
          %add3A_271 = vector.broadcast %add3A_270 : i32 to vector<16xi32>
          %add3A_272 = arith.addi %bitcast_convert_type3A_263, %add3A_271 : vector<16xi32>
          %and3A_273 = arith.constant -65536 : i32
          %and3A_274 = vector.broadcast %and3A_273 : i32 to vector<16xi32>
          %and3A_275 = arith.andi %add3A_272, %and3A_274 : vector<16xi32>
          %or3A_276 = arith.ori %shift_right_logical3A_269, %and3A_275 : vector<16xi32>
          %mul3A_277 = arith.constant 128 : i32
          %mul3A_278 = arith.muli %scan3A_76, %mul3A_277 : i32
          %add3A_279 = arith.constant 80 : i32
          %add3A_280 = arith.addi %mul3A_278, %add3A_279 : i32
          %swap3A_281 = arith.index_cast %add3A_280 : i32 to index
          %swap3A_282 = tpu.vector_load %arg14[%swap3A_281] {strides = array<i32>} : memref<8192xi32, #tpu.memory_space<vmem>>, vector<16xi32>,
          tpu.vector_store %arg14[%swap3A_281], %or3A_276 {strides = array<i32>} : memref<8192xi32, #tpu.memory_space<vmem>>, vector<16xi32>,
          %mul3A_283 = arith.constant 256 : i32
          %mul3A_284 = arith.muli %scan3A_76, %mul3A_283 : i32
          %add3A_285 = arith.constant 96 : i32
          %add3A_286 = arith.addi %mul3A_284, %add3A_285 : i32
          %get3A_287 = arith.index_cast %add3A_286 : i32 to index
          %get3A_288 = tpu.vector_load %arg13[%get3A_287] {strides = array<i32>} : memref<16384xf32, #tpu.memory_space<vmem>>, vector<16xf32>,
          %mul3A_289 = arith.constant 256 : i32
          %mul3A_290 = arith.muli %scan3A_76, %mul3A_289 : i32
          %add3A_291 = arith.constant 128 : i32
          %add3A_292 = arith.addi %mul3A_290, %add3A_291 : i32
          %add3A_293 = arith.constant 96 : i32
          %add3A_294 = arith.addi %add3A_292, %add3A_293 : i32
          %get3A_295 = arith.index_cast %add3A_294 : i32 to index
          %get3A_296 = tpu.vector_load %arg13[%get3A_295] {strides = array<i32>} : memref<16384xf32, #tpu.memory_space<vmem>>, vector<16xf32>,
          %bitcast_convert_type3A_297 = tpu.bitcast %get3A_288 : vector<16xf32> -> vector<16xi32>
          %bitcast_convert_type3A_298 = tpu.bitcast %get3A_296 : vector<16xf32> -> vector<16xi32>
          %add3A_299 = arith.constant 32768 : i32
          %add3A_300 = vector.broadcast %add3A_299 : i32 to vector<16xi32>
          %add3A_301 = arith.addi %bitcast_convert_type3A_297, %add3A_300 : vector<16xi32>
          %shift_right_logical3A_302 = arith.constant 16 : i32
          %shift_right_logical3A_303 = vector.broadcast %shift_right_logical3A_302 : i32 to vector<16xi32>
          %shift_right_logical3A_304 = arith.shrui %add3A_301, %shift_right_logical3A_303 : vector<16xi32>
          %add3A_305 = arith.constant 32768 : i32
          %add3A_306 = vector.broadcast %add3A_305 : i32 to vector<16xi32>
          %add3A_307 = arith.addi %bitcast_convert_type3A_298, %add3A_306 : vector<16xi32>
          %and3A_308 = arith.constant -65536 : i32
          %and3A_309 = vector.broadcast %and3A_308 : i32 to vector<16xi32>
          %and3A_310 = arith.andi %add3A_307, %and3A_309 : vector<16xi32>
          %or3A_311 = arith.ori %shift_right_logical3A_304, %and3A_310 : vector<16xi32>
          %mul3A_312 = arith.constant 128 : i32
          %mul3A_313 = arith.muli %scan3A_76, %mul3A_312 : i32
          %add3A_314 = arith.constant 96 : i32
          %add3A_315 = arith.addi %mul3A_313, %add3A_314 : i32
          %swap3A_316 = arith.index_cast %add3A_315 : i32 to index
          %swap3A_317 = tpu.vector_load %arg14[%swap3A_316] {strides = array<i32>} : memref<8192xi32, #tpu.memory_space<vmem>>, vector<16xi32>,
          tpu.vector_store %arg14[%swap3A_316], %or3A_311 {strides = array<i32>} : memref<8192xi32, #tpu.memory_space<vmem>>, vector<16xi32>,
          %mul3A_318 = arith.constant 256 : i32
          %mul3A_319 = arith.muli %scan3A_76, %mul3A_318 : i32
          %add3A_320 = arith.constant 112 : i32
          %add3A_321 = arith.addi %mul3A_319, %add3A_320 : i32
          %get3A_322 = arith.index_cast %add3A_321 : i32 to index
          %get3A_323 = tpu.vector_load %arg13[%get3A_322] {strides = array<i32>} : memref<16384xf32, #tpu.memory_space<vmem>>, vector<16xf32>,
          %mul3A_324 = arith.constant 256 : i32
          %mul3A_325 = arith.muli %scan3A_76, %mul3A_324 : i32
          %add3A_326 = arith.constant 128 : i32
          %add3A_327 = arith.addi %mul3A_325, %add3A_326 : i32
          %add3A_328 = arith.constant 112 : i32
          %add3A_329 = arith.addi %add3A_327, %add3A_328 : i32
          %get3A_330 = arith.index_cast %add3A_329 : i32 to index
          %get3A_331 = tpu.vector_load %arg13[%get3A_330] {strides = array<i32>} : memref<16384xf32, #tpu.memory_space<vmem>>, vector<16xf32>,
          %bitcast_convert_type3A_332 = tpu.bitcast %get3A_323 : vector<16xf32> -> vector<16xi32>
          %bitcast_convert_type3A_333 = tpu.bitcast %get3A_331 : vector<16xf32> -> vector<16xi32>
          %add3A_334 = arith.constant 32768 : i32
          %add3A_335 = vector.broadcast %add3A_334 : i32 to vector<16xi32>
          %add3A_336 = arith.addi %bitcast_convert_type3A_332, %add3A_335 : vector<16xi32>
          %shift_right_logical3A_337 = arith.constant 16 : i32
          %shift_right_logical3A_338 = vector.broadcast %shift_right_logical3A_337 : i32 to vector<16xi32>
          %shift_right_logical3A_339 = arith.shrui %add3A_336, %shift_right_logical3A_338 : vector<16xi32>
          %add3A_340 = arith.constant 32768 : i32
          %add3A_341 = vector.broadcast %add3A_340 : i32 to vector<16xi32>
          %add3A_342 = arith.addi %bitcast_convert_type3A_333, %add3A_341 : vector<16xi32>
          %and3A_343 = arith.constant -65536 : i32
          %and3A_344 = vector.broadcast %and3A_343 : i32 to vector<16xi32>
          %and3A_345 = arith.andi %add3A_342, %and3A_344 : vector<16xi32>
          %or3A_346 = arith.ori %shift_right_logical3A_339, %and3A_345 : vector<16xi32>
          %mul3A_347 = arith.constant 128 : i32
          %mul3A_348 = arith.muli %scan3A_76, %mul3A_347 : i32
          %add3A_349 = arith.constant 112 : i32
          %add3A_350 = arith.addi %mul3A_348, %add3A_349 : i32
          %swap3A_351 = arith.index_cast %add3A_350 : i32 to index
          %swap3A_352 = tpu.vector_load %arg14[%swap3A_351] {strides = array<i32>} : memref<8192xi32, #tpu.memory_space<vmem>>, vector<16xi32>,
          tpu.vector_store %arg14[%swap3A_351], %or3A_346 {strides = array<i32>} : memref<8192xi32, #tpu.memory_space<vmem>>, vector<16xi32>,
          %scan3A_353 = arith.constant 0 : i32
          scf.yield %scan3A_353 : i32
        }
        %scan3A_69 = arith.constant 64 : i32
        %mul3A_70 = arith.constant 32768 : i32
        %mul3A_71 = arith.muli %arg1, %mul3A_70 : i32
        %mul3A_72 = arith.constant 8192 : i32
        %mul3A_73 = arith.muli %scan3A_53, %mul3A_72 : i32
        %add3A_74 = arith.addi %mul3A_71, %mul3A_73 : i32
        "tpu.region"() ({
          %run_scoped3A = tpu.sem_alloc : memref<!tpu.dma_semaphore, #tpu.memory_space<semaphore_mem>>
          %dma_start3A = tpu.memref_slice %arg15[%add3A_74] : memref<524288xi32, #tpu.memory_space<vmem_shared>> -> memref<8192xi32, #tpu.memory_space<vmem_shared>>
          %dma_start3A_76 = tpu.memref_slice %arg15[%add3A_74] : memref<524288xi32, #tpu.memory_space<vmem_shared>> -> memref<8192xi32, #tpu.memory_space<vmem_shared>>
          tpu.enqueue_dma source(%arg14 : memref<8192xi32, #tpu.memory_space<vmem>>) target(%dma_start3A_76 : memref<8192xi32, #tpu.memory_space<vmem_shared>>) target_semaphore(%run_scoped3A : memref<!tpu.dma_semaphore, #tpu.memory_space<semaphore_mem>>)
          %dma_wait3A_77 = tpu.memref_slice %arg15[%add3A_74] : memref<524288xi32, #tpu.memory_space<vmem_shared>> -> memref<8192xi32, #tpu.memory_space<vmem_shared>>
          %dma_wait3A_78 = tpu.memref_slice %arg15[%add3A_74] : memref<524288xi32, #tpu.memory_space<vmem_shared>> -> memref<8192xi32, #tpu.memory_space<vmem_shared>>
          tpu.wait_dma2 semaphore(%run_scoped3A : memref<!tpu.dma_semaphore, #tpu.memory_space<semaphore_mem>>) src(%arg14 : memref<8192xi32, #tpu.memory_space<vmem>>) dst(%dma_wait3A_78 : memref<8192xi32, #tpu.memory_space<vmem_shared>>)
          tpu.yield
        }) : () -> ()
        %scan3A_75 = arith.constant 0 : i32
        scf.yield %scan3A_75 : i32
      }
      %scan3A_16 = arith.constant 4 : i32
      %barrier3A_17 = arith.constant 0 : index
      tpu.barrier barrier_id(%barrier3A_17)
      %broadcast_in_dim3A = vector.broadcast %scan3A_9 : i32 to vector<16xi32>
      %broadcast_in_dim3A_18 = vector.shape_cast %broadcast_in_dim3A : vector<16xi32> to vector<16x1xi32>
      %gather3A = vector.shape_cast %broadcast_in_dim3A_18 : vector<16x1xi32> to vector<16xi32>
      %gather3A_19 = tpu.dynamic_gather %get3A_3[%gather3A] in [0] : vector<16xf32>, vector<16xi32> -> vector<16xf32>
      %scan3A_20 = arith.constant 0 : i32
      %scan3A_21 = arith.constant 0 : i32
      %scan3A_22 = arith.constant 16 : i32
      %scan3A_23 = arith.addi %scan3A_21, %scan3A_22 : i32
      %scan3A_24 = arith.constant 1 : i32
      scf.for %scan3A_53 = %scan3A_21 to %scan3A_23 step %scan3A_24  : i32 {
        %and3A = arith.constant 1 : i32
        %and3A_54 = arith.andi %scan3A_53, %and3A : i32
        %eq3A = arith.constant 0 : i32
        %eq3A_55 = arith.cmpi eq, %and3A_54, %eq3A : i32
        %convert_element_type3A = arith.extui %eq3A_55 : i1 to i32
        %cond3A = arith.constant 0 : i32
        %cond3A_56 = arith.cmpi ne, %convert_element_type3A, %cond3A : i32
        scf.if %cond3A_56 {
          %shift_right_arithmetic3A = arith.constant 1 : i32
          %shift_right_arithmetic3A_86 = arith.shrsi %scan3A_53, %shift_right_arithmetic3A : i32
          %mul3A_87 = arith.constant 2048 : i32
          %mul3A_88 = arith.muli %shift_right_arithmetic3A_86, %mul3A_87 : i32
          %add3A_89 = arith.addi %mul3A_2, %mul3A_88 : i32
          "tpu.region"() ({
            %run_scoped3A = tpu.sem_alloc : memref<!tpu.dma_semaphore, #tpu.memory_space<semaphore_mem>>
            %dma_start3A_90 = arith.constant 0 : i32
            %dma_start3A_91 = tpu.memref_slice %arg2[%dma_start3A_90, %add3A_89] : memref<3x524288xf32, #tpu.memory_space<hbm>> -> memref<3x2048xf32, #tpu.memory_space<hbm>>
            %dma_start3A_92 = arith.constant 0 : i32
            %dma_start3A_93 = tpu.memref_slice %arg2[%dma_start3A_92, %add3A_89] : memref<3x524288xf32, #tpu.memory_space<hbm>> -> memref<3x2048xf32, #tpu.memory_space<hbm>>
            tpu.enqueue_dma source(%dma_start3A_93 : memref<3x2048xf32, #tpu.memory_space<hbm>>) target(%arg6 : memref<3x2048xf32, #tpu.memory_space<vmem>>) target_semaphore(%run_scoped3A : memref<!tpu.dma_semaphore, #tpu.memory_space<semaphore_mem>>)
            %dma_wait3A_94 = arith.constant 0 : i32
            %dma_wait3A_95 = tpu.memref_slice %arg2[%dma_wait3A_94, %add3A_89] : memref<3x524288xf32, #tpu.memory_space<hbm>> -> memref<3x2048xf32, #tpu.memory_space<hbm>>
            %dma_wait3A_96 = arith.constant 0 : i32
            %dma_wait3A_97 = tpu.memref_slice %arg2[%dma_wait3A_96, %add3A_89] : memref<3x524288xf32, #tpu.memory_space<hbm>> -> memref<3x2048xf32, #tpu.memory_space<hbm>>
            tpu.wait_dma2 semaphore(%run_scoped3A : memref<!tpu.dma_semaphore, #tpu.memory_space<semaphore_mem>>) src(%dma_wait3A_97 : memref<3x2048xf32, #tpu.memory_space<hbm>>) dst(%arg6 : memref<3x2048xf32, #tpu.memory_space<vmem>>)
            tpu.yield
          }) : () -> ()
        } else {
        }
        %and3A_57 = arith.constant 1 : i32
        %and3A_58 = arith.andi %scan3A_53, %and3A_57 : i32
        %mul3A_59 = arith.constant 8192 : i32
        %mul3A_60 = arith.muli %and3A_58, %mul3A_59 : i32
        %scan3A_61 = arith.constant 0 : i32
        %scan3A_62 = arith.constant 0 : i32
        %scan3A_63 = arith.constant 64 : i32
        %scan3A_64 = arith.addi %scan3A_62, %scan3A_63 : i32
        %scan3A_65 = arith.constant 2 : i32
        %scan3A_66 = scf.for %scan3A_86 = %scan3A_62 to %scan3A_64 step %scan3A_65 iter_args(%scan3A_87 = %scan3A_61) -> (i32)  : i32 {
          %and3A_88 = arith.constant 1 : i32
          %and3A_89 = arith.andi %scan3A_53, %and3A_88 : i32
          %mul3A_90 = arith.constant 1024 : i32
          %mul3A_91 = arith.muli %and3A_89, %mul3A_90 : i32
          %mul3A_92 = arith.constant 16 : i32
          %mul3A_93 = arith.muli %scan3A_86, %mul3A_92 : i32
          %add3A_94 = arith.addi %mul3A_91, %mul3A_93 : i32
          %get3A_95 = arith.constant 0 : i32
          %get3A_96 = arith.index_cast %get3A_95 : i32 to index
          %get3A_97 = arith.index_cast %add3A_94 : i32 to index
          %get3A_98 = tpu.vector_load %arg6[%get3A_96, %get3A_97] {strides = array<i32>} : memref<3x2048xf32, #tpu.memory_space<vmem>>, vector<16xf32>,
          %get3A_99 = arith.constant 1 : i32
          %get3A_100 = arith.index_cast %get3A_99 : i32 to index
          %get3A_101 = arith.index_cast %add3A_94 : i32 to index
          %get3A_102 = tpu.vector_load %arg6[%get3A_100, %get3A_101] {strides = array<i32>} : memref<3x2048xf32, #tpu.memory_space<vmem>>, vector<16xf32>,
          %get3A_103 = arith.constant 2 : i32
          %get3A_104 = arith.index_cast %get3A_103 : i32 to index
          %get3A_105 = arith.index_cast %add3A_94 : i32 to index
          %get3A_106 = tpu.vector_load %arg6[%get3A_104, %get3A_105] {strides = array<i32>} : memref<3x2048xf32, #tpu.memory_space<vmem>>, vector<16xf32>,
          %mul3A_107 = arith.mulf %get3A_98, %gather3A_19 : vector<16xf32>
          %mul3A_108 = arith.mulf %get3A_102, %gather3A_19 : vector<16xf32>
          %mul3A_109 = arith.mulf %get3A_106, %gather3A_19 : vector<16xf32>
          %convert_element_type3A_110 = arith.fptosi %mul3A_107 : vector<16xf32> to vector<16xi32>
          %convert_element_type3A_111 = arith.fptosi %mul3A_108 : vector<16xf32> to vector<16xi32>
          %convert_element_type3A_112 = arith.fptosi %mul3A_109 : vector<16xf32> to vector<16xi32>
          %convert_element_type3A_113 = arith.sitofp %convert_element_type3A_110 : vector<16xi32> to vector<16xf32>
          %sub3A = arith.subf %mul3A_107, %convert_element_type3A_113 : vector<16xf32>
          %convert_element_type3A_114 = arith.sitofp %convert_element_type3A_111 : vector<16xi32> to vector<16xf32>
          %sub3A_115 = arith.subf %mul3A_108, %convert_element_type3A_114 : vector<16xf32>
          %convert_element_type3A_116 = arith.sitofp %convert_element_type3A_112 : vector<16xi32> to vector<16xf32>
          %sub3A_117 = arith.subf %mul3A_109, %convert_element_type3A_116 : vector<16xf32>
          %mul3A_118 = arith.constant 1540863 : i32
          %mul3A_119 = vector.broadcast %mul3A_118 : i32 to vector<16xi32>
          %mul3A_120 = arith.muli %convert_element_type3A_110, %mul3A_119 : vector<16xi32>
          %mul3A_121 = arith.constant 1540863 : i32
          %mul3A_122 = vector.broadcast %mul3A_121 : i32 to vector<16xi32>
          %mul3A_123 = arith.muli %convert_element_type3A_110, %mul3A_122 : vector<16xi32>
          %add3A_124 = arith.constant 1540863 : i32
          %add3A_125 = vector.broadcast %add3A_124 : i32 to vector<16xi32>
          %add3A_126 = arith.addi %mul3A_123, %add3A_125 : vector<16xi32>
          %mul3A_127 = arith.constant 1256879 : i32
          %mul3A_128 = vector.broadcast %mul3A_127 : i32 to vector<16xi32>
          %mul3A_129 = arith.muli %convert_element_type3A_111, %mul3A_128 : vector<16xi32>
          %mul3A_130 = arith.constant 1256879 : i32
          %mul3A_131 = vector.broadcast %mul3A_130 : i32 to vector<16xi32>
          %mul3A_132 = arith.muli %convert_element_type3A_111, %mul3A_131 : vector<16xi32>
          %add3A_133 = arith.constant 1256879 : i32
          %add3A_134 = vector.broadcast %add3A_133 : i32 to vector<16xi32>
          %add3A_135 = arith.addi %mul3A_132, %add3A_134 : vector<16xi32>
          %mul3A_136 = arith.constant 1957123 : i32
          %mul3A_137 = vector.broadcast %mul3A_136 : i32 to vector<16xi32>
          %mul3A_138 = arith.muli %convert_element_type3A_112, %mul3A_137 : vector<16xi32>
          %mul3A_139 = arith.constant 1957123 : i32
          %mul3A_140 = vector.broadcast %mul3A_139 : i32 to vector<16xi32>
          %mul3A_141 = arith.muli %convert_element_type3A_112, %mul3A_140 : vector<16xi32>
          %add3A_142 = arith.constant 1957123 : i32
          %add3A_143 = vector.broadcast %add3A_142 : i32 to vector<16xi32>
          %add3A_144 = arith.addi %mul3A_141, %add3A_143 : vector<16xi32>
          %sub3A_145 = arith.constant 1.000000e+00 : f32
          %sub3A_146 = vector.broadcast %sub3A_145 : f32 to vector<16xf32>
          %sub3A_147 = arith.subf %sub3A_146, %sub3A : vector<16xf32>
          %sub3A_148 = arith.constant 1.000000e+00 : f32
          %sub3A_149 = vector.broadcast %sub3A_148 : f32 to vector<16xf32>
          %sub3A_150 = arith.subf %sub3A_149, %sub3A_115 : vector<16xf32>
          %sub3A_151 = arith.constant 1.000000e+00 : f32
          %sub3A_152 = vector.broadcast %sub3A_151 : f32 to vector<16xf32>
          %sub3A_153 = arith.subf %sub3A_152, %sub3A_117 : vector<16xf32>
          %xor3A = arith.xori %mul3A_120, %mul3A_129 : vector<16xi32>
          %xor3A_154 = arith.xori %xor3A, %mul3A_138 : vector<16xi32>
          %mul3A_155 = arith.constant 8 : i32
          %mul3A_156 = arith.muli %scan3A_86, %mul3A_155 : i32
          %add3A_157 = arith.constant 0 : i32
          %add3A_158 = arith.addi %mul3A_156, %add3A_157 : i32
          %mul3A_159 = arith.constant 16 : i32
          %mul3A_160 = arith.muli %add3A_158, %mul3A_159 : i32
          %add3A_161 = arith.addi %mul3A_60, %mul3A_160 : i32
          %and3A_162 = arith.constant 524287 : i32
          %and3A_163 = vector.broadcast %and3A_162 : i32 to vector<16xi32>
          %and3A_164 = arith.andi %xor3A_154, %and3A_163 : vector<16xi32>
          %swap3A = arith.index_cast %add3A_161 : i32 to index
          %swap3A_165 = tpu.vector_load %arg8[%swap3A] {strides = array<i32>} : memref<16384xi32, #tpu.memory_space<vmem>>, vector<16xi32>,
          tpu.vector_store %arg8[%swap3A], %and3A_164 {strides = array<i32>} : memref<16384xi32, #tpu.memory_space<vmem>>, vector<16xi32>,
          %mul3A_166 = arith.mulf %sub3A_147, %sub3A_150 : vector<16xf32>
          %mul3A_167 = arith.mulf %mul3A_166, %sub3A_153 : vector<16xf32>
          %swap3A_168 = arith.index_cast %add3A_161 : i32 to index
          %swap3A_169 = tpu.vector_load %arg9[%swap3A_168] {strides = array<i32>} : memref<16384xf32, #tpu.memory_space<vmem>>, vector<16xf32>,
          tpu.vector_store %arg9[%swap3A_168], %mul3A_167 {strides = array<i32>} : memref<16384xf32, #tpu.memory_space<vmem>>, vector<16xf32>,
          %xor3A_170 = arith.xori %mul3A_120, %mul3A_129 : vector<16xi32>
          %xor3A_171 = arith.xori %xor3A_170, %add3A_144 : vector<16xi32>
          %mul3A_172 = arith.constant 8 : i32
          %mul3A_173 = arith.muli %scan3A_86, %mul3A_172 : i32
          %add3A_174 = arith.constant 1 : i32
          %add3A_175 = arith.addi %mul3A_173, %add3A_174 : i32
          %mul3A_176 = arith.constant 16 : i32
          %mul3A_177 = arith.muli %add3A_175, %mul3A_176 : i32
          %add3A_178 = arith.addi %mul3A_60, %mul3A_177 : i32
          %and3A_179 = arith.constant 524287 : i32
          %and3A_180 = vector.broadcast %and3A_179 : i32 to vector<16xi32>
          %and3A_181 = arith.andi %xor3A_171, %and3A_180 : vector<16xi32>
          %swap3A_182 = arith.index_cast %add3A_178 : i32 to index
          %swap3A_183 = tpu.vector_load %arg8[%swap3A_182] {strides = array<i32>} : memref<16384xi32, #tpu.memory_space<vmem>>, vector<16xi32>,
          tpu.vector_store %arg8[%swap3A_182], %and3A_181 {strides = array<i32>} : memref<16384xi32, #tpu.memory_space<vmem>>, vector<16xi32>,
          %mul3A_184 = arith.mulf %sub3A_147, %sub3A_150 : vector<16xf32>
          %mul3A_185 = arith.mulf %mul3A_184, %sub3A_117 : vector<16xf32>
          %swap3A_186 = arith.index_cast %add3A_178 : i32 to index
          %swap3A_187 = tpu.vector_load %arg9[%swap3A_186] {strides = array<i32>} : memref<16384xf32, #tpu.memory_space<vmem>>, vector<16xf32>,
          tpu.vector_store %arg9[%swap3A_186], %mul3A_185 {strides = array<i32>} : memref<16384xf32, #tpu.memory_space<vmem>>, vector<16xf32>,
          %xor3A_188 = arith.xori %mul3A_120, %add3A_135 : vector<16xi32>
          %xor3A_189 = arith.xori %xor3A_188, %mul3A_138 : vector<16xi32>
          %mul3A_190 = arith.constant 8 : i32
          %mul3A_191 = arith.muli %scan3A_86, %mul3A_190 : i32
          %add3A_192 = arith.constant 2 : i32
          %add3A_193 = arith.addi %mul3A_191, %add3A_192 : i32
          %mul3A_194 = arith.constant 16 : i32
          %mul3A_195 = arith.muli %add3A_193, %mul3A_194 : i32
          %add3A_196 = arith.addi %mul3A_60, %mul3A_195 : i32
          %and3A_197 = arith.constant 524287 : i32
          %and3A_198 = vector.broadcast %and3A_197 : i32 to vector<16xi32>
          %and3A_199 = arith.andi %xor3A_189, %and3A_198 : vector<16xi32>
          %swap3A_200 = arith.index_cast %add3A_196 : i32 to index
          %swap3A_201 = tpu.vector_load %arg8[%swap3A_200] {strides = array<i32>} : memref<16384xi32, #tpu.memory_space<vmem>>, vector<16xi32>,
          tpu.vector_store %arg8[%swap3A_200], %and3A_199 {strides = array<i32>} : memref<16384xi32, #tpu.memory_space<vmem>>, vector<16xi32>,
          %mul3A_202 = arith.mulf %sub3A_147, %sub3A_115 : vector<16xf32>
          %mul3A_203 = arith.mulf %mul3A_202, %sub3A_153 : vector<16xf32>
          %swap3A_204 = arith.index_cast %add3A_196 : i32 to index
          %swap3A_205 = tpu.vector_load %arg9[%swap3A_204] {strides = array<i32>} : memref<16384xf32, #tpu.memory_space<vmem>>, vector<16xf32>,
          tpu.vector_store %arg9[%swap3A_204], %mul3A_203 {strides = array<i32>} : memref<16384xf32, #tpu.memory_space<vmem>>, vector<16xf32>,
          %xor3A_206 = arith.xori %mul3A_120, %add3A_135 : vector<16xi32>
          %xor3A_207 = arith.xori %xor3A_206, %add3A_144 : vector<16xi32>
          %mul3A_208 = arith.constant 8 : i32
          %mul3A_209 = arith.muli %scan3A_86, %mul3A_208 : i32
          %add3A_210 = arith.constant 3 : i32
          %add3A_211 = arith.addi %mul3A_209, %add3A_210 : i32
          %mul3A_212 = arith.constant 16 : i32
          %mul3A_213 = arith.muli %add3A_211, %mul3A_212 : i32
          %add3A_214 = arith.addi %mul3A_60, %mul3A_213 : i32
          %and3A_215 = arith.constant 524287 : i32
          %and3A_216 = vector.broadcast %and3A_215 : i32 to vector<16xi32>
          %and3A_217 = arith.andi %xor3A_207, %and3A_216 : vector<16xi32>
          %swap3A_218 = arith.index_cast %add3A_214 : i32 to index
          %swap3A_219 = tpu.vector_load %arg8[%swap3A_218] {strides = array<i32>} : memref<16384xi32, #tpu.memory_space<vmem>>, vector<16xi32>,
          tpu.vector_store %arg8[%swap3A_218], %and3A_217 {strides = array<i32>} : memref<16384xi32, #tpu.memory_space<vmem>>, vector<16xi32>,
          %mul3A_220 = arith.mulf %sub3A_147, %sub3A_115 : vector<16xf32>
          %mul3A_221 = arith.mulf %mul3A_220, %sub3A_117 : vector<16xf32>
          %swap3A_222 = arith.index_cast %add3A_214 : i32 to index
          %swap3A_223 = tpu.vector_load %arg9[%swap3A_222] {strides = array<i32>} : memref<16384xf32, #tpu.memory_space<vmem>>, vector<16xf32>,
          tpu.vector_store %arg9[%swap3A_222], %mul3A_221 {strides = array<i32>} : memref<16384xf32, #tpu.memory_space<vmem>>, vector<16xf32>,
          %xor3A_224 = arith.xori %add3A_126, %mul3A_129 : vector<16xi32>
          %xor3A_225 = arith.xori %xor3A_224, %mul3A_138 : vector<16xi32>
          %mul3A_226 = arith.constant 8 : i32
          %mul3A_227 = arith.muli %scan3A_86, %mul3A_226 : i32
          %add3A_228 = arith.constant 4 : i32
          %add3A_229 = arith.addi %mul3A_227, %add3A_228 : i32
          %mul3A_230 = arith.constant 16 : i32
          %mul3A_231 = arith.muli %add3A_229, %mul3A_230 : i32
          %add3A_232 = arith.addi %mul3A_60, %mul3A_231 : i32
          %and3A_233 = arith.constant 524287 : i32
          %and3A_234 = vector.broadcast %and3A_233 : i32 to vector<16xi32>
          %and3A_235 = arith.andi %xor3A_225, %and3A_234 : vector<16xi32>
          %swap3A_236 = arith.index_cast %add3A_232 : i32 to index
          %swap3A_237 = tpu.vector_load %arg8[%swap3A_236] {strides = array<i32>} : memref<16384xi32, #tpu.memory_space<vmem>>, vector<16xi32>,
          tpu.vector_store %arg8[%swap3A_236], %and3A_235 {strides = array<i32>} : memref<16384xi32, #tpu.memory_space<vmem>>, vector<16xi32>,
          %mul3A_238 = arith.mulf %sub3A, %sub3A_150 : vector<16xf32>
          %mul3A_239 = arith.mulf %mul3A_238, %sub3A_153 : vector<16xf32>
          %swap3A_240 = arith.index_cast %add3A_232 : i32 to index
          %swap3A_241 = tpu.vector_load %arg9[%swap3A_240] {strides = array<i32>} : memref<16384xf32, #tpu.memory_space<vmem>>, vector<16xf32>,
          tpu.vector_store %arg9[%swap3A_240], %mul3A_239 {strides = array<i32>} : memref<16384xf32, #tpu.memory_space<vmem>>, vector<16xf32>,
          %xor3A_242 = arith.xori %add3A_126, %mul3A_129 : vector<16xi32>
          %xor3A_243 = arith.xori %xor3A_242, %add3A_144 : vector<16xi32>
          %mul3A_244 = arith.constant 8 : i32
          %mul3A_245 = arith.muli %scan3A_86, %mul3A_244 : i32
          %add3A_246 = arith.constant 5 : i32
          %add3A_247 = arith.addi %mul3A_245, %add3A_246 : i32
          %mul3A_248 = arith.constant 16 : i32
          %mul3A_249 = arith.muli %add3A_247, %mul3A_248 : i32
          %add3A_250 = arith.addi %mul3A_60, %mul3A_249 : i32
          %and3A_251 = arith.constant 524287 : i32
          %and3A_252 = vector.broadcast %and3A_251 : i32 to vector<16xi32>
          %and3A_253 = arith.andi %xor3A_243, %and3A_252 : vector<16xi32>
          %swap3A_254 = arith.index_cast %add3A_250 : i32 to index
          %swap3A_255 = tpu.vector_load %arg8[%swap3A_254] {strides = array<i32>} : memref<16384xi32, #tpu.memory_space<vmem>>, vector<16xi32>,
          tpu.vector_store %arg8[%swap3A_254], %and3A_253 {strides = array<i32>} : memref<16384xi32, #tpu.memory_space<vmem>>, vector<16xi32>,
          %mul3A_256 = arith.mulf %sub3A, %sub3A_150 : vector<16xf32>
          %mul3A_257 = arith.mulf %mul3A_256, %sub3A_117 : vector<16xf32>
          %swap3A_258 = arith.index_cast %add3A_250 : i32 to index
          %swap3A_259 = tpu.vector_load %arg9[%swap3A_258] {strides = array<i32>} : memref<16384xf32, #tpu.memory_space<vmem>>, vector<16xf32>,
          tpu.vector_store %arg9[%swap3A_258], %mul3A_257 {strides = array<i32>} : memref<16384xf32, #tpu.memory_space<vmem>>, vector<16xf32>,
          %xor3A_260 = arith.xori %add3A_126, %add3A_135 : vector<16xi32>
          %xor3A_261 = arith.xori %xor3A_260, %mul3A_138 : vector<16xi32>
          %mul3A_262 = arith.constant 8 : i32
          %mul3A_263 = arith.muli %scan3A_86, %mul3A_262 : i32
          %add3A_264 = arith.constant 6 : i32
          %add3A_265 = arith.addi %mul3A_263, %add3A_264 : i32
          %mul3A_266 = arith.constant 16 : i32
          %mul3A_267 = arith.muli %add3A_265, %mul3A_266 : i32
          %add3A_268 = arith.addi %mul3A_60, %mul3A_267 : i32
          %and3A_269 = arith.constant 524287 : i32
          %and3A_270 = vector.broadcast %and3A_269 : i32 to vector<16xi32>
          %and3A_271 = arith.andi %xor3A_261, %and3A_270 : vector<16xi32>
          %swap3A_272 = arith.index_cast %add3A_268 : i32 to index
          %swap3A_273 = tpu.vector_load %arg8[%swap3A_272] {strides = array<i32>} : memref<16384xi32, #tpu.memory_space<vmem>>, vector<16xi32>,
          tpu.vector_store %arg8[%swap3A_272], %and3A_271 {strides = array<i32>} : memref<16384xi32, #tpu.memory_space<vmem>>, vector<16xi32>,
          %mul3A_274 = arith.mulf %sub3A, %sub3A_115 : vector<16xf32>
          %mul3A_275 = arith.mulf %mul3A_274, %sub3A_153 : vector<16xf32>
          %swap3A_276 = arith.index_cast %add3A_268 : i32 to index
          %swap3A_277 = tpu.vector_load %arg9[%swap3A_276] {strides = array<i32>} : memref<16384xf32, #tpu.memory_space<vmem>>, vector<16xf32>,
          tpu.vector_store %arg9[%swap3A_276], %mul3A_275 {strides = array<i32>} : memref<16384xf32, #tpu.memory_space<vmem>>, vector<16xf32>,
          %xor3A_278 = arith.xori %add3A_126, %add3A_135 : vector<16xi32>
          %xor3A_279 = arith.xori %xor3A_278, %add3A_144 : vector<16xi32>
          %mul3A_280 = arith.constant 8 : i32
          %mul3A_281 = arith.muli %scan3A_86, %mul3A_280 : i32
          %add3A_282 = arith.constant 7 : i32
          %add3A_283 = arith.addi %mul3A_281, %add3A_282 : i32
          %mul3A_284 = arith.constant 16 : i32
          %mul3A_285 = arith.muli %add3A_283, %mul3A_284 : i32
          %add3A_286 = arith.addi %mul3A_60, %mul3A_285 : i32
          %and3A_287 = arith.constant 524287 : i32
          %and3A_288 = vector.broadcast %and3A_287 : i32 to vector<16xi32>
          %and3A_289 = arith.andi %xor3A_279, %and3A_288 : vector<16xi32>
          %swap3A_290 = arith.index_cast %add3A_286 : i32 to index
          %swap3A_291 = tpu.vector_load %arg8[%swap3A_290] {strides = array<i32>} : memref<16384xi32, #tpu.memory_space<vmem>>, vector<16xi32>,
          tpu.vector_store %arg8[%swap3A_290], %and3A_289 {strides = array<i32>} : memref<16384xi32, #tpu.memory_space<vmem>>, vector<16xi32>,
          %mul3A_292 = arith.mulf %sub3A, %sub3A_115 : vector<16xf32>
          %mul3A_293 = arith.mulf %mul3A_292, %sub3A_117 : vector<16xf32>
          %swap3A_294 = arith.index_cast %add3A_286 : i32 to index
          %swap3A_295 = tpu.vector_load %arg9[%swap3A_294] {strides = array<i32>} : memref<16384xf32, #tpu.memory_space<vmem>>, vector<16xf32>,
          tpu.vector_store %arg9[%swap3A_294], %mul3A_293 {strides = array<i32>} : memref<16384xf32, #tpu.memory_space<vmem>>, vector<16xf32>,
          %scan3A_296 = arith.constant 0 : i32
          %scan3A_297 = arith.constant 1 : i32
          %scan3A_298 = arith.addi %scan3A_86, %scan3A_297 : i32
          %and3A_299 = arith.constant 1 : i32
          %and3A_300 = arith.andi %scan3A_53, %and3A_299 : i32
          %mul3A_301 = arith.constant 1024 : i32
          %mul3A_302 = arith.muli %and3A_300, %mul3A_301 : i32
          %mul3A_303 = arith.constant 16 : i32
          %mul3A_304 = arith.muli %scan3A_298, %mul3A_303 : i32
          %add3A_305 = arith.addi %mul3A_302, %mul3A_304 : i32
          %get3A_306 = arith.constant 0 : i32
          %get3A_307 = arith.index_cast %get3A_306 : i32 to index
          %get3A_308 = arith.index_cast %add3A_305 : i32 to index
          %get3A_309 = tpu.vector_load %arg6[%get3A_307, %get3A_308] {strides = array<i32>} : memref<3x2048xf32, #tpu.memory_space<vmem>>, vector<16xf32>,
          %get3A_310 = arith.constant 1 : i32
          %get3A_311 = arith.index_cast %get3A_310 : i32 to index
          %get3A_312 = arith.index_cast %add3A_305 : i32 to index
          %get3A_313 = tpu.vector_load %arg6[%get3A_311, %get3A_312] {strides = array<i32>} : memref<3x2048xf32, #tpu.memory_space<vmem>>, vector<16xf32>,
          %get3A_314 = arith.constant 2 : i32
          %get3A_315 = arith.index_cast %get3A_314 : i32 to index
          %get3A_316 = arith.index_cast %add3A_305 : i32 to index
          %get3A_317 = tpu.vector_load %arg6[%get3A_315, %get3A_316] {strides = array<i32>} : memref<3x2048xf32, #tpu.memory_space<vmem>>, vector<16xf32>,
          %mul3A_318 = arith.mulf %get3A_309, %gather3A_19 : vector<16xf32>
          %mul3A_319 = arith.mulf %get3A_313, %gather3A_19 : vector<16xf32>
          %mul3A_320 = arith.mulf %get3A_317, %gather3A_19 : vector<16xf32>
          %convert_element_type3A_321 = arith.fptosi %mul3A_318 : vector<16xf32> to vector<16xi32>
          %convert_element_type3A_322 = arith.fptosi %mul3A_319 : vector<16xf32> to vector<16xi32>
          %convert_element_type3A_323 = arith.fptosi %mul3A_320 : vector<16xf32> to vector<16xi32>
          %convert_element_type3A_324 = arith.sitofp %convert_element_type3A_321 : vector<16xi32> to vector<16xf32>
          %sub3A_325 = arith.subf %mul3A_318, %convert_element_type3A_324 : vector<16xf32>
          %convert_element_type3A_326 = arith.sitofp %convert_element_type3A_322 : vector<16xi32> to vector<16xf32>
          %sub3A_327 = arith.subf %mul3A_319, %convert_element_type3A_326 : vector<16xf32>
          %convert_element_type3A_328 = arith.sitofp %convert_element_type3A_323 : vector<16xi32> to vector<16xf32>
          %sub3A_329 = arith.subf %mul3A_320, %convert_element_type3A_328 : vector<16xf32>
          %mul3A_330 = arith.constant 1540863 : i32
          %mul3A_331 = vector.broadcast %mul3A_330 : i32 to vector<16xi32>
          %mul3A_332 = arith.muli %convert_element_type3A_321, %mul3A_331 : vector<16xi32>
          %mul3A_333 = arith.constant 1540863 : i32
          %mul3A_334 = vector.broadcast %mul3A_333 : i32 to vector<16xi32>
          %mul3A_335 = arith.muli %convert_element_type3A_321, %mul3A_334 : vector<16xi32>
          %add3A_336 = arith.constant 1540863 : i32
          %add3A_337 = vector.broadcast %add3A_336 : i32 to vector<16xi32>
          %add3A_338 = arith.addi %mul3A_335, %add3A_337 : vector<16xi32>
          %mul3A_339 = arith.constant 1256879 : i32
          %mul3A_340 = vector.broadcast %mul3A_339 : i32 to vector<16xi32>
          %mul3A_341 = arith.muli %convert_element_type3A_322, %mul3A_340 : vector<16xi32>
          %mul3A_342 = arith.constant 1256879 : i32
          %mul3A_343 = vector.broadcast %mul3A_342 : i32 to vector<16xi32>
          %mul3A_344 = arith.muli %convert_element_type3A_322, %mul3A_343 : vector<16xi32>
          %add3A_345 = arith.constant 1256879 : i32
          %add3A_346 = vector.broadcast %add3A_345 : i32 to vector<16xi32>
          %add3A_347 = arith.addi %mul3A_344, %add3A_346 : vector<16xi32>
          %mul3A_348 = arith.constant 1957123 : i32
          %mul3A_349 = vector.broadcast %mul3A_348 : i32 to vector<16xi32>
          %mul3A_350 = arith.muli %convert_element_type3A_323, %mul3A_349 : vector<16xi32>
          %mul3A_351 = arith.constant 1957123 : i32
          %mul3A_352 = vector.broadcast %mul3A_351 : i32 to vector<16xi32>
          %mul3A_353 = arith.muli %convert_element_type3A_323, %mul3A_352 : vector<16xi32>
          %add3A_354 = arith.constant 1957123 : i32
          %add3A_355 = vector.broadcast %add3A_354 : i32 to vector<16xi32>
          %add3A_356 = arith.addi %mul3A_353, %add3A_355 : vector<16xi32>
          %sub3A_357 = arith.constant 1.000000e+00 : f32
          %sub3A_358 = vector.broadcast %sub3A_357 : f32 to vector<16xf32>
          %sub3A_359 = arith.subf %sub3A_358, %sub3A_325 : vector<16xf32>
          %sub3A_360 = arith.constant 1.000000e+00 : f32
          %sub3A_361 = vector.broadcast %sub3A_360 : f32 to vector<16xf32>
          %sub3A_362 = arith.subf %sub3A_361, %sub3A_327 : vector<16xf32>
          %sub3A_363 = arith.constant 1.000000e+00 : f32
          %sub3A_364 = vector.broadcast %sub3A_363 : f32 to vector<16xf32>
          %sub3A_365 = arith.subf %sub3A_364, %sub3A_329 : vector<16xf32>
          %xor3A_366 = arith.xori %mul3A_332, %mul3A_341 : vector<16xi32>
          %xor3A_367 = arith.xori %xor3A_366, %mul3A_350 : vector<16xi32>
          %mul3A_368 = arith.constant 8 : i32
          %mul3A_369 = arith.muli %scan3A_298, %mul3A_368 : i32
          %add3A_370 = arith.constant 0 : i32
          %add3A_371 = arith.addi %mul3A_369, %add3A_370 : i32
          %mul3A_372 = arith.constant 16 : i32
          %mul3A_373 = arith.muli %add3A_371, %mul3A_372 : i32
          %add3A_374 = arith.addi %mul3A_60, %mul3A_373 : i32
          %and3A_375 = arith.constant 524287 : i32
          %and3A_376 = vector.broadcast %and3A_375 : i32 to vector<16xi32>
          %and3A_377 = arith.andi %xor3A_367, %and3A_376 : vector<16xi32>
          %swap3A_378 = arith.index_cast %add3A_374 : i32 to index
          %swap3A_379 = tpu.vector_load %arg8[%swap3A_378] {strides = array<i32>} : memref<16384xi32, #tpu.memory_space<vmem>>, vector<16xi32>,
          tpu.vector_store %arg8[%swap3A_378], %and3A_377 {strides = array<i32>} : memref<16384xi32, #tpu.memory_space<vmem>>, vector<16xi32>,
          %mul3A_380 = arith.mulf %sub3A_359, %sub3A_362 : vector<16xf32>
          %mul3A_381 = arith.mulf %mul3A_380, %sub3A_365 : vector<16xf32>
          %swap3A_382 = arith.index_cast %add3A_374 : i32 to index
          %swap3A_383 = tpu.vector_load %arg9[%swap3A_382] {strides = array<i32>} : memref<16384xf32, #tpu.memory_space<vmem>>, vector<16xf32>,
          tpu.vector_store %arg9[%swap3A_382], %mul3A_381 {strides = array<i32>} : memref<16384xf32, #tpu.memory_space<vmem>>, vector<16xf32>,
          %xor3A_384 = arith.xori %mul3A_332, %mul3A_341 : vector<16xi32>
          %xor3A_385 = arith.xori %xor3A_384, %add3A_356 : vector<16xi32>
          %mul3A_386 = arith.constant 8 : i32
          %mul3A_387 = arith.muli %scan3A_298, %mul3A_386 : i32
          %add3A_388 = arith.constant 1 : i32
          %add3A_389 = arith.addi %mul3A_387, %add3A_388 : i32
          %mul3A_390 = arith.constant 16 : i32
          %mul3A_391 = arith.muli %add3A_389, %mul3A_390 : i32
          %add3A_392 = arith.addi %mul3A_60, %mul3A_391 : i32
          %and3A_393 = arith.constant 524287 : i32
          %and3A_394 = vector.broadcast %and3A_393 : i32 to vector<16xi32>
          %and3A_395 = arith.andi %xor3A_385, %and3A_394 : vector<16xi32>
          %swap3A_396 = arith.index_cast %add3A_392 : i32 to index
          %swap3A_397 = tpu.vector_load %arg8[%swap3A_396] {strides = array<i32>} : memref<16384xi32, #tpu.memory_space<vmem>>, vector<16xi32>,
          tpu.vector_store %arg8[%swap3A_396], %and3A_395 {strides = array<i32>} : memref<16384xi32, #tpu.memory_space<vmem>>, vector<16xi32>,
          %mul3A_398 = arith.mulf %sub3A_359, %sub3A_362 : vector<16xf32>
          %mul3A_399 = arith.mulf %mul3A_398, %sub3A_329 : vector<16xf32>
          %swap3A_400 = arith.index_cast %add3A_392 : i32 to index
          %swap3A_401 = tpu.vector_load %arg9[%swap3A_400] {strides = array<i32>} : memref<16384xf32, #tpu.memory_space<vmem>>, vector<16xf32>,
          tpu.vector_store %arg9[%swap3A_400], %mul3A_399 {strides = array<i32>} : memref<16384xf32, #tpu.memory_space<vmem>>, vector<16xf32>,
          %xor3A_402 = arith.xori %mul3A_332, %add3A_347 : vector<16xi32>
          %xor3A_403 = arith.xori %xor3A_402, %mul3A_350 : vector<16xi32>
          %mul3A_404 = arith.constant 8 : i32
          %mul3A_405 = arith.muli %scan3A_298, %mul3A_404 : i32
          %add3A_406 = arith.constant 2 : i32
          %add3A_407 = arith.addi %mul3A_405, %add3A_406 : i32
          %mul3A_408 = arith.constant 16 : i32
          %mul3A_409 = arith.muli %add3A_407, %mul3A_408 : i32
          %add3A_410 = arith.addi %mul3A_60, %mul3A_409 : i32
          %and3A_411 = arith.constant 524287 : i32
          %and3A_412 = vector.broadcast %and3A_411 : i32 to vector<16xi32>
          %and3A_413 = arith.andi %xor3A_403, %and3A_412 : vector<16xi32>
          %swap3A_414 = arith.index_cast %add3A_410 : i32 to index
          %swap3A_415 = tpu.vector_load %arg8[%swap3A_414] {strides = array<i32>} : memref<16384xi32, #tpu.memory_space<vmem>>, vector<16xi32>,
          tpu.vector_store %arg8[%swap3A_414], %and3A_413 {strides = array<i32>} : memref<16384xi32, #tpu.memory_space<vmem>>, vector<16xi32>,
          %mul3A_416 = arith.mulf %sub3A_359, %sub3A_327 : vector<16xf32>
          %mul3A_417 = arith.mulf %mul3A_416, %sub3A_365 : vector<16xf32>
          %swap3A_418 = arith.index_cast %add3A_410 : i32 to index
          %swap3A_419 = tpu.vector_load %arg9[%swap3A_418] {strides = array<i32>} : memref<16384xf32, #tpu.memory_space<vmem>>, vector<16xf32>,
          tpu.vector_store %arg9[%swap3A_418], %mul3A_417 {strides = array<i32>} : memref<16384xf32, #tpu.memory_space<vmem>>, vector<16xf32>,
          %xor3A_420 = arith.xori %mul3A_332, %add3A_347 : vector<16xi32>
          %xor3A_421 = arith.xori %xor3A_420, %add3A_356 : vector<16xi32>
          %mul3A_422 = arith.constant 8 : i32
          %mul3A_423 = arith.muli %scan3A_298, %mul3A_422 : i32
          %add3A_424 = arith.constant 3 : i32
          %add3A_425 = arith.addi %mul3A_423, %add3A_424 : i32
          %mul3A_426 = arith.constant 16 : i32
          %mul3A_427 = arith.muli %add3A_425, %mul3A_426 : i32
          %add3A_428 = arith.addi %mul3A_60, %mul3A_427 : i32
          %and3A_429 = arith.constant 524287 : i32
          %and3A_430 = vector.broadcast %and3A_429 : i32 to vector<16xi32>
          %and3A_431 = arith.andi %xor3A_421, %and3A_430 : vector<16xi32>
          %swap3A_432 = arith.index_cast %add3A_428 : i32 to index
          %swap3A_433 = tpu.vector_load %arg8[%swap3A_432] {strides = array<i32>} : memref<16384xi32, #tpu.memory_space<vmem>>, vector<16xi32>,
          tpu.vector_store %arg8[%swap3A_432], %and3A_431 {strides = array<i32>} : memref<16384xi32, #tpu.memory_space<vmem>>, vector<16xi32>,
          %mul3A_434 = arith.mulf %sub3A_359, %sub3A_327 : vector<16xf32>
          %mul3A_435 = arith.mulf %mul3A_434, %sub3A_329 : vector<16xf32>
          %swap3A_436 = arith.index_cast %add3A_428 : i32 to index
          %swap3A_437 = tpu.vector_load %arg9[%swap3A_436] {strides = array<i32>} : memref<16384xf32, #tpu.memory_space<vmem>>, vector<16xf32>,
          tpu.vector_store %arg9[%swap3A_436], %mul3A_435 {strides = array<i32>} : memref<16384xf32, #tpu.memory_space<vmem>>, vector<16xf32>,
          %xor3A_438 = arith.xori %add3A_338, %mul3A_341 : vector<16xi32>
          %xor3A_439 = arith.xori %xor3A_438, %mul3A_350 : vector<16xi32>
          %mul3A_440 = arith.constant 8 : i32
          %mul3A_441 = arith.muli %scan3A_298, %mul3A_440 : i32
          %add3A_442 = arith.constant 4 : i32
          %add3A_443 = arith.addi %mul3A_441, %add3A_442 : i32
          %mul3A_444 = arith.constant 16 : i32
          %mul3A_445 = arith.muli %add3A_443, %mul3A_444 : i32
          %add3A_446 = arith.addi %mul3A_60, %mul3A_445 : i32
          %and3A_447 = arith.constant 524287 : i32
          %and3A_448 = vector.broadcast %and3A_447 : i32 to vector<16xi32>
          %and3A_449 = arith.andi %xor3A_439, %and3A_448 : vector<16xi32>
          %swap3A_450 = arith.index_cast %add3A_446 : i32 to index
          %swap3A_451 = tpu.vector_load %arg8[%swap3A_450] {strides = array<i32>} : memref<16384xi32, #tpu.memory_space<vmem>>, vector<16xi32>,
          tpu.vector_store %arg8[%swap3A_450], %and3A_449 {strides = array<i32>} : memref<16384xi32, #tpu.memory_space<vmem>>, vector<16xi32>,
          %mul3A_452 = arith.mulf %sub3A_325, %sub3A_362 : vector<16xf32>
          %mul3A_453 = arith.mulf %mul3A_452, %sub3A_365 : vector<16xf32>
          %swap3A_454 = arith.index_cast %add3A_446 : i32 to index
          %swap3A_455 = tpu.vector_load %arg9[%swap3A_454] {strides = array<i32>} : memref<16384xf32, #tpu.memory_space<vmem>>, vector<16xf32>,
          tpu.vector_store %arg9[%swap3A_454], %mul3A_453 {strides = array<i32>} : memref<16384xf32, #tpu.memory_space<vmem>>, vector<16xf32>,
          %xor3A_456 = arith.xori %add3A_338, %mul3A_341 : vector<16xi32>
          %xor3A_457 = arith.xori %xor3A_456, %add3A_356 : vector<16xi32>
          %mul3A_458 = arith.constant 8 : i32
          %mul3A_459 = arith.muli %scan3A_298, %mul3A_458 : i32
          %add3A_460 = arith.constant 5 : i32
          %add3A_461 = arith.addi %mul3A_459, %add3A_460 : i32
          %mul3A_462 = arith.constant 16 : i32
          %mul3A_463 = arith.muli %add3A_461, %mul3A_462 : i32
          %add3A_464 = arith.addi %mul3A_60, %mul3A_463 : i32
          %and3A_465 = arith.constant 524287 : i32
          %and3A_466 = vector.broadcast %and3A_465 : i32 to vector<16xi32>
          %and3A_467 = arith.andi %xor3A_457, %and3A_466 : vector<16xi32>
          %swap3A_468 = arith.index_cast %add3A_464 : i32 to index
          %swap3A_469 = tpu.vector_load %arg8[%swap3A_468] {strides = array<i32>} : memref<16384xi32, #tpu.memory_space<vmem>>, vector<16xi32>,
          tpu.vector_store %arg8[%swap3A_468], %and3A_467 {strides = array<i32>} : memref<16384xi32, #tpu.memory_space<vmem>>, vector<16xi32>,
          %mul3A_470 = arith.mulf %sub3A_325, %sub3A_362 : vector<16xf32>
          %mul3A_471 = arith.mulf %mul3A_470, %sub3A_329 : vector<16xf32>
          %swap3A_472 = arith.index_cast %add3A_464 : i32 to index
          %swap3A_473 = tpu.vector_load %arg9[%swap3A_472] {strides = array<i32>} : memref<16384xf32, #tpu.memory_space<vmem>>, vector<16xf32>,
          tpu.vector_store %arg9[%swap3A_472], %mul3A_471 {strides = array<i32>} : memref<16384xf32, #tpu.memory_space<vmem>>, vector<16xf32>,
          %xor3A_474 = arith.xori %add3A_338, %add3A_347 : vector<16xi32>
          %xor3A_475 = arith.xori %xor3A_474, %mul3A_350 : vector<16xi32>
          %mul3A_476 = arith.constant 8 : i32
          %mul3A_477 = arith.muli %scan3A_298, %mul3A_476 : i32
          %add3A_478 = arith.constant 6 : i32
          %add3A_479 = arith.addi %mul3A_477, %add3A_478 : i32
          %mul3A_480 = arith.constant 16 : i32
          %mul3A_481 = arith.muli %add3A_479, %mul3A_480 : i32
          %add3A_482 = arith.addi %mul3A_60, %mul3A_481 : i32
          %and3A_483 = arith.constant 524287 : i32
          %and3A_484 = vector.broadcast %and3A_483 : i32 to vector<16xi32>
          %and3A_485 = arith.andi %xor3A_475, %and3A_484 : vector<16xi32>
          %swap3A_486 = arith.index_cast %add3A_482 : i32 to index
          %swap3A_487 = tpu.vector_load %arg8[%swap3A_486] {strides = array<i32>} : memref<16384xi32, #tpu.memory_space<vmem>>, vector<16xi32>,
          tpu.vector_store %arg8[%swap3A_486], %and3A_485 {strides = array<i32>} : memref<16384xi32, #tpu.memory_space<vmem>>, vector<16xi32>,
          %mul3A_488 = arith.mulf %sub3A_325, %sub3A_327 : vector<16xf32>
          %mul3A_489 = arith.mulf %mul3A_488, %sub3A_365 : vector<16xf32>
          %swap3A_490 = arith.index_cast %add3A_482 : i32 to index
          %swap3A_491 = tpu.vector_load %arg9[%swap3A_490] {strides = array<i32>} : memref<16384xf32, #tpu.memory_space<vmem>>, vector<16xf32>,
          tpu.vector_store %arg9[%swap3A_490], %mul3A_489 {strides = array<i32>} : memref<16384xf32, #tpu.memory_space<vmem>>, vector<16xf32>,
          %xor3A_492 = arith.xori %add3A_338, %add3A_347 : vector<16xi32>
          %xor3A_493 = arith.xori %xor3A_492, %add3A_356 : vector<16xi32>
          %mul3A_494 = arith.constant 8 : i32
          %mul3A_495 = arith.muli %scan3A_298, %mul3A_494 : i32
          %add3A_496 = arith.constant 7 : i32
          %add3A_497 = arith.addi %mul3A_495, %add3A_496 : i32
          %mul3A_498 = arith.constant 16 : i32
          %mul3A_499 = arith.muli %add3A_497, %mul3A_498 : i32
          %add3A_500 = arith.addi %mul3A_60, %mul3A_499 : i32
          %and3A_501 = arith.constant 524287 : i32
          %and3A_502 = vector.broadcast %and3A_501 : i32 to vector<16xi32>
          %and3A_503 = arith.andi %xor3A_493, %and3A_502 : vector<16xi32>
          %swap3A_504 = arith.index_cast %add3A_500 : i32 to index
          %swap3A_505 = tpu.vector_load %arg8[%swap3A_504] {strides = array<i32>} : memref<16384xi32, #tpu.memory_space<vmem>>, vector<16xi32>,
          tpu.vector_store %arg8[%swap3A_504], %and3A_503 {strides = array<i32>} : memref<16384xi32, #tpu.memory_space<vmem>>, vector<16xi32>,
          %mul3A_506 = arith.mulf %sub3A_325, %sub3A_327 : vector<16xf32>
          %mul3A_507 = arith.mulf %mul3A_506, %sub3A_329 : vector<16xf32>
          %swap3A_508 = arith.index_cast %add3A_500 : i32 to index
          %swap3A_509 = tpu.vector_load %arg9[%swap3A_508] {strides = array<i32>} : memref<16384xf32, #tpu.memory_space<vmem>>, vector<16xf32>,
          tpu.vector_store %arg9[%swap3A_508], %mul3A_507 {strides = array<i32>} : memref<16384xf32, #tpu.memory_space<vmem>>, vector<16xf32>,
          %scan3A_510 = arith.constant 0 : i32
          scf.yield %scan3A_510 : i32
        }
        %scan3A_67 = arith.constant 64 : i32
        %gt3A = arith.constant 0 : i32
        %gt3A_68 = arith.cmpi sgt, %scan3A_53, %gt3A : i32
        %convert_element_type3A_69 = arith.extui %gt3A_68 : i1 to i32
        %cond3A_70 = arith.constant 0 : i32
        %cond3A_71 = arith.cmpi ne, %convert_element_type3A_69, %cond3A_70 : i32
        scf.if %cond3A_71 {
          %sub3A = arith.constant 1 : i32
          %sub3A_86 = arith.subi %scan3A_53, %sub3A : i32
          %and3A_87 = arith.constant 1 : i32
          %and3A_88 = arith.andi %sub3A_86, %and3A_87 : i32
          %mul3A_89 = arith.constant 8192 : i32
          %mul3A_90 = arith.muli %and3A_88, %mul3A_89 : i32
          %mul3A_91 = arith.constant 8192 : i32
          %mul3A_92 = arith.muli %and3A_88, %mul3A_91 : i32
          %dma_wait3A_93 = tpu.memref_slice %arg10[%mul3A_92] : memref<16384xi32, #tpu.memory_space<vmem>> -> memref<8192xi32, #tpu.memory_space<vmem>>
          %dma_wait3A_94 = tpu.memref_slice %arg8[%mul3A_90] : memref<16384xi32, #tpu.memory_space<vmem>> -> memref<8192xi32, #tpu.memory_space<vmem>>
          %dma_wait3A_95 = arith.constant 0 : i32
          %dma_wait3A_96 = tpu.memref_slice %arg15[%dma_wait3A_95] : memref<524288xi32, #tpu.memory_space<vmem_shared>> -> memref<524288xi32, #tpu.memory_space<vmem_shared>>
          tpu.wait_indirect_dma semaphore(%arg16 : memref<!tpu.dma_semaphore, #tpu.memory_space<semaphore_mem>>) src(%dma_wait3A_96 : memref<524288xi32, #tpu.memory_space<vmem_shared>>) dst(%dma_wait3A_93 : memref<8192xi32, #tpu.memory_space<vmem>>)
        } else {
        }
        %and3A_72 = arith.constant 1 : i32
        %and3A_73 = arith.andi %scan3A_53, %and3A_72 : i32
        %mul3A_74 = arith.constant 8192 : i32
        %mul3A_75 = arith.muli %and3A_73, %mul3A_74 : i32
        %mul3A_76 = arith.constant 8192 : i32
        %mul3A_77 = arith.muli %and3A_73, %mul3A_76 : i32
        %dma_start3A = tpu.memref_slice %arg10[%mul3A_77] : memref<16384xi32, #tpu.memory_space<vmem>> -> memref<8192xi32, #tpu.memory_space<vmem>>
        %dma_start3A_78 = tpu.memref_slice %arg8[%mul3A_75] : memref<16384xi32, #tpu.memory_space<vmem>> -> memref<8192xi32, #tpu.memory_space<vmem>>
        %dma_start3A_79 = arith.constant 0 : i32
        %dma_start3A_80 = tpu.memref_slice %arg15[%dma_start3A_79] : memref<524288xi32, #tpu.memory_space<vmem_shared>> -> memref<524288xi32, #tpu.memory_space<vmem_shared>>
        tpu.enqueue_indirect_dma source(%dma_start3A_80 : memref<524288xi32, #tpu.memory_space<vmem_shared>>) target(%dma_start3A : memref<8192xi32, #tpu.memory_space<vmem>>) offsets(%dma_start3A_78 : memref<8192xi32, #tpu.memory_space<vmem>>) semaphore(%arg16 : memref<!tpu.dma_semaphore, #tpu.memory_space<semaphore_mem>>)
        %gt3A_81 = arith.constant 0 : i32
        %gt3A_82 = arith.cmpi sgt, %scan3A_53, %gt3A_81 : i32
        %convert_element_type3A_83 = arith.extui %gt3A_82 : i1 to i32
        %cond3A_84 = arith.constant 0 : i32
        %cond3A_85 = arith.cmpi ne, %convert_element_type3A_83, %cond3A_84 : i32
        scf.if %cond3A_85 {
          %sub3A = arith.constant 1 : i32
          %sub3A_86 = arith.subi %scan3A_53, %sub3A : i32
          %and3A_87 = arith.constant 1 : i32
          %and3A_88 = arith.andi %sub3A_86, %and3A_87 : i32
          %mul3A_89 = arith.constant 8192 : i32
          %mul3A_90 = arith.muli %and3A_88, %mul3A_89 : i32
          %scan3A_91 = arith.constant -65536 : i32
          %scan3A_92 = arith.constant 0 : i32
          %scan3A_93 = arith.constant 0 : i32
          %scan3A_94 = arith.constant 64 : i32
          %scan3A_95 = arith.addi %scan3A_93, %scan3A_94 : i32
          %scan3A_96 = arith.constant 2 : i32
          %scan3A_97 = scf.for %scan3A_114 = %scan3A_93 to %scan3A_95 step %scan3A_96 iter_args(%scan3A_115 = %scan3A_92) -> (i32)  : i32 {
            %mul3A_116 = arith.constant 8 : i32
            %mul3A_117 = arith.muli %scan3A_114, %mul3A_116 : i32
            %add3A_118 = arith.constant 0 : i32
            %add3A_119 = arith.addi %mul3A_117, %add3A_118 : i32
            %mul3A_120 = arith.constant 16 : i32
            %mul3A_121 = arith.muli %add3A_119, %mul3A_120 : i32
            %add3A_122 = arith.addi %mul3A_90, %mul3A_121 : i32
            %get3A_123 = arith.index_cast %add3A_122 : i32 to index
            %get3A_124 = tpu.vector_load %arg10[%get3A_123] {strides = array<i32>} : memref<16384xi32, #tpu.memory_space<vmem>>, vector<16xi32>,
            %shift_left3A = arith.constant 16 : i32
            %shift_left3A_125 = vector.broadcast %shift_left3A : i32 to vector<16xi32>
            %shift_left3A_126 = arith.shli %get3A_124, %shift_left3A_125 : vector<16xi32>
            %bitcast_convert_type3A = tpu.bitcast %shift_left3A_126 : vector<16xi32> -> vector<16xf32>
            %and3A_127 = vector.broadcast %scan3A_91 : i32 to vector<16xi32>
            %and3A_128 = arith.andi %get3A_124, %and3A_127 : vector<16xi32>
            %bitcast_convert_type3A_129 = tpu.bitcast %and3A_128 : vector<16xi32> -> vector<16xf32>
            %get3A_130 = arith.index_cast %add3A_122 : i32 to index
            %get3A_131 = tpu.vector_load %arg9[%get3A_130] {strides = array<i32>} : memref<16384xf32, #tpu.memory_space<vmem>>, vector<16xf32>,
            %mul3A_132 = arith.mulf %get3A_131, %bitcast_convert_type3A : vector<16xf32>
            %mul3A_133 = arith.mulf %get3A_131, %bitcast_convert_type3A_129 : vector<16xf32>
            %mul3A_134 = arith.constant 8 : i32
            %mul3A_135 = arith.muli %scan3A_114, %mul3A_134 : i32
            %add3A_136 = arith.constant 1 : i32
            %add3A_137 = arith.addi %mul3A_135, %add3A_136 : i32
            %mul3A_138 = arith.constant 16 : i32
            %mul3A_139 = arith.muli %add3A_137, %mul3A_138 : i32
            %add3A_140 = arith.addi %mul3A_90, %mul3A_139 : i32
            %get3A_141 = arith.index_cast %add3A_140 : i32 to index
            %get3A_142 = tpu.vector_load %arg10[%get3A_141] {strides = array<i32>} : memref<16384xi32, #tpu.memory_space<vmem>>, vector<16xi32>,
            %shift_left3A_143 = arith.constant 16 : i32
            %shift_left3A_144 = vector.broadcast %shift_left3A_143 : i32 to vector<16xi32>
            %shift_left3A_145 = arith.shli %get3A_142, %shift_left3A_144 : vector<16xi32>
            %bitcast_convert_type3A_146 = tpu.bitcast %shift_left3A_145 : vector<16xi32> -> vector<16xf32>
            %and3A_147 = vector.broadcast %scan3A_91 : i32 to vector<16xi32>
            %and3A_148 = arith.andi %get3A_142, %and3A_147 : vector<16xi32>
            %bitcast_convert_type3A_149 = tpu.bitcast %and3A_148 : vector<16xi32> -> vector<16xf32>
            %get3A_150 = arith.index_cast %add3A_140 : i32 to index
            %get3A_151 = tpu.vector_load %arg9[%get3A_150] {strides = array<i32>} : memref<16384xf32, #tpu.memory_space<vmem>>, vector<16xf32>,
            %mul3A_152 = arith.mulf %get3A_151, %bitcast_convert_type3A_146 : vector<16xf32>
            %add3A_153 = arith.addf %mul3A_132, %mul3A_152 : vector<16xf32>
            %mul3A_154 = arith.mulf %get3A_151, %bitcast_convert_type3A_149 : vector<16xf32>
            %add3A_155 = arith.addf %mul3A_133, %mul3A_154 : vector<16xf32>
            %mul3A_156 = arith.constant 8 : i32
            %mul3A_157 = arith.muli %scan3A_114, %mul3A_156 : i32
            %add3A_158 = arith.constant 2 : i32
            %add3A_159 = arith.addi %mul3A_157, %add3A_158 : i32
            %mul3A_160 = arith.constant 16 : i32
            %mul3A_161 = arith.muli %add3A_159, %mul3A_160 : i32
            %add3A_162 = arith.addi %mul3A_90, %mul3A_161 : i32
            %get3A_163 = arith.index_cast %add3A_162 : i32 to index
            %get3A_164 = tpu.vector_load %arg10[%get3A_163] {strides = array<i32>} : memref<16384xi32, #tpu.memory_space<vmem>>, vector<16xi32>,
            %shift_left3A_165 = arith.constant 16 : i32
            %shift_left3A_166 = vector.broadcast %shift_left3A_165 : i32 to vector<16xi32>
            %shift_left3A_167 = arith.shli %get3A_164, %shift_left3A_166 : vector<16xi32>
            %bitcast_convert_type3A_168 = tpu.bitcast %shift_left3A_167 : vector<16xi32> -> vector<16xf32>
            %and3A_169 = vector.broadcast %scan3A_91 : i32 to vector<16xi32>
            %and3A_170 = arith.andi %get3A_164, %and3A_169 : vector<16xi32>
            %bitcast_convert_type3A_171 = tpu.bitcast %and3A_170 : vector<16xi32> -> vector<16xf32>
            %get3A_172 = arith.index_cast %add3A_162 : i32 to index
            %get3A_173 = tpu.vector_load %arg9[%get3A_172] {strides = array<i32>} : memref<16384xf32, #tpu.memory_space<vmem>>, vector<16xf32>,
            %mul3A_174 = arith.mulf %get3A_173, %bitcast_convert_type3A_168 : vector<16xf32>
            %add3A_175 = arith.addf %add3A_153, %mul3A_174 : vector<16xf32>
            %mul3A_176 = arith.mulf %get3A_173, %bitcast_convert_type3A_171 : vector<16xf32>
            %add3A_177 = arith.addf %add3A_155, %mul3A_176 : vector<16xf32>
            %mul3A_178 = arith.constant 8 : i32
            %mul3A_179 = arith.muli %scan3A_114, %mul3A_178 : i32
            %add3A_180 = arith.constant 3 : i32
            %add3A_181 = arith.addi %mul3A_179, %add3A_180 : i32
            %mul3A_182 = arith.constant 16 : i32
            %mul3A_183 = arith.muli %add3A_181, %mul3A_182 : i32
            %add3A_184 = arith.addi %mul3A_90, %mul3A_183 : i32
            %get3A_185 = arith.index_cast %add3A_184 : i32 to index
            %get3A_186 = tpu.vector_load %arg10[%get3A_185] {strides = array<i32>} : memref<16384xi32, #tpu.memory_space<vmem>>, vector<16xi32>,
            %shift_left3A_187 = arith.constant 16 : i32
            %shift_left3A_188 = vector.broadcast %shift_left3A_187 : i32 to vector<16xi32>
            %shift_left3A_189 = arith.shli %get3A_186, %shift_left3A_188 : vector<16xi32>
            %bitcast_convert_type3A_190 = tpu.bitcast %shift_left3A_189 : vector<16xi32> -> vector<16xf32>
            %and3A_191 = vector.broadcast %scan3A_91 : i32 to vector<16xi32>
            %and3A_192 = arith.andi %get3A_186, %and3A_191 : vector<16xi32>
            %bitcast_convert_type3A_193 = tpu.bitcast %and3A_192 : vector<16xi32> -> vector<16xf32>
            %get3A_194 = arith.index_cast %add3A_184 : i32 to index
            %get3A_195 = tpu.vector_load %arg9[%get3A_194] {strides = array<i32>} : memref<16384xf32, #tpu.memory_space<vmem>>, vector<16xf32>,
            %mul3A_196 = arith.mulf %get3A_195, %bitcast_convert_type3A_190 : vector<16xf32>
            %add3A_197 = arith.addf %add3A_175, %mul3A_196 : vector<16xf32>
            %mul3A_198 = arith.mulf %get3A_195, %bitcast_convert_type3A_193 : vector<16xf32>
            %add3A_199 = arith.addf %add3A_177, %mul3A_198 : vector<16xf32>
            %mul3A_200 = arith.constant 8 : i32
            %mul3A_201 = arith.muli %scan3A_114, %mul3A_200 : i32
            %add3A_202 = arith.constant 4 : i32
            %add3A_203 = arith.addi %mul3A_201, %add3A_202 : i32
            %mul3A_204 = arith.constant 16 : i32
            %mul3A_205 = arith.muli %add3A_203, %mul3A_204 : i32
            %add3A_206 = arith.addi %mul3A_90, %mul3A_205 : i32
            %get3A_207 = arith.index_cast %add3A_206 : i32 to index
            %get3A_208 = tpu.vector_load %arg10[%get3A_207] {strides = array<i32>} : memref<16384xi32, #tpu.memory_space<vmem>>, vector<16xi32>,
            %shift_left3A_209 = arith.constant 16 : i32
            %shift_left3A_210 = vector.broadcast %shift_left3A_209 : i32 to vector<16xi32>
            %shift_left3A_211 = arith.shli %get3A_208, %shift_left3A_210 : vector<16xi32>
            %bitcast_convert_type3A_212 = tpu.bitcast %shift_left3A_211 : vector<16xi32> -> vector<16xf32>
            %and3A_213 = vector.broadcast %scan3A_91 : i32 to vector<16xi32>
            %and3A_214 = arith.andi %get3A_208, %and3A_213 : vector<16xi32>
            %bitcast_convert_type3A_215 = tpu.bitcast %and3A_214 : vector<16xi32> -> vector<16xf32>
            %get3A_216 = arith.index_cast %add3A_206 : i32 to index
            %get3A_217 = tpu.vector_load %arg9[%get3A_216] {strides = array<i32>} : memref<16384xf32, #tpu.memory_space<vmem>>, vector<16xf32>,
            %mul3A_218 = arith.mulf %get3A_217, %bitcast_convert_type3A_212 : vector<16xf32>
            %add3A_219 = arith.addf %add3A_197, %mul3A_218 : vector<16xf32>
            %mul3A_220 = arith.mulf %get3A_217, %bitcast_convert_type3A_215 : vector<16xf32>
            %add3A_221 = arith.addf %add3A_199, %mul3A_220 : vector<16xf32>
            %mul3A_222 = arith.constant 8 : i32
            %mul3A_223 = arith.muli %scan3A_114, %mul3A_222 : i32
            %add3A_224 = arith.constant 5 : i32
            %add3A_225 = arith.addi %mul3A_223, %add3A_224 : i32
            %mul3A_226 = arith.constant 16 : i32
            %mul3A_227 = arith.muli %add3A_225, %mul3A_226 : i32
            %add3A_228 = arith.addi %mul3A_90, %mul3A_227 : i32
            %get3A_229 = arith.index_cast %add3A_228 : i32 to index
            %get3A_230 = tpu.vector_load %arg10[%get3A_229] {strides = array<i32>} : memref<16384xi32, #tpu.memory_space<vmem>>, vector<16xi32>,
            %shift_left3A_231 = arith.constant 16 : i32
            %shift_left3A_232 = vector.broadcast %shift_left3A_231 : i32 to vector<16xi32>
            %shift_left3A_233 = arith.shli %get3A_230, %shift_left3A_232 : vector<16xi32>
            %bitcast_convert_type3A_234 = tpu.bitcast %shift_left3A_233 : vector<16xi32> -> vector<16xf32>
            %and3A_235 = vector.broadcast %scan3A_91 : i32 to vector<16xi32>
            %and3A_236 = arith.andi %get3A_230, %and3A_235 : vector<16xi32>
            %bitcast_convert_type3A_237 = tpu.bitcast %and3A_236 : vector<16xi32> -> vector<16xf32>
            %get3A_238 = arith.index_cast %add3A_228 : i32 to index
            %get3A_239 = tpu.vector_load %arg9[%get3A_238] {strides = array<i32>} : memref<16384xf32, #tpu.memory_space<vmem>>, vector<16xf32>,
            %mul3A_240 = arith.mulf %get3A_239, %bitcast_convert_type3A_234 : vector<16xf32>
            %add3A_241 = arith.addf %add3A_219, %mul3A_240 : vector<16xf32>
            %mul3A_242 = arith.mulf %get3A_239, %bitcast_convert_type3A_237 : vector<16xf32>
            %add3A_243 = arith.addf %add3A_221, %mul3A_242 : vector<16xf32>
            %mul3A_244 = arith.constant 8 : i32
            %mul3A_245 = arith.muli %scan3A_114, %mul3A_244 : i32
            %add3A_246 = arith.constant 6 : i32
            %add3A_247 = arith.addi %mul3A_245, %add3A_246 : i32
            %mul3A_248 = arith.constant 16 : i32
            %mul3A_249 = arith.muli %add3A_247, %mul3A_248 : i32
            %add3A_250 = arith.addi %mul3A_90, %mul3A_249 : i32
            %get3A_251 = arith.index_cast %add3A_250 : i32 to index
            %get3A_252 = tpu.vector_load %arg10[%get3A_251] {strides = array<i32>} : memref<16384xi32, #tpu.memory_space<vmem>>, vector<16xi32>,
            %shift_left3A_253 = arith.constant 16 : i32
            %shift_left3A_254 = vector.broadcast %shift_left3A_253 : i32 to vector<16xi32>
            %shift_left3A_255 = arith.shli %get3A_252, %shift_left3A_254 : vector<16xi32>
            %bitcast_convert_type3A_256 = tpu.bitcast %shift_left3A_255 : vector<16xi32> -> vector<16xf32>
            %and3A_257 = vector.broadcast %scan3A_91 : i32 to vector<16xi32>
            %and3A_258 = arith.andi %get3A_252, %and3A_257 : vector<16xi32>
            %bitcast_convert_type3A_259 = tpu.bitcast %and3A_258 : vector<16xi32> -> vector<16xf32>
            %get3A_260 = arith.index_cast %add3A_250 : i32 to index
            %get3A_261 = tpu.vector_load %arg9[%get3A_260] {strides = array<i32>} : memref<16384xf32, #tpu.memory_space<vmem>>, vector<16xf32>,
            %mul3A_262 = arith.mulf %get3A_261, %bitcast_convert_type3A_256 : vector<16xf32>
            %add3A_263 = arith.addf %add3A_241, %mul3A_262 : vector<16xf32>
            %mul3A_264 = arith.mulf %get3A_261, %bitcast_convert_type3A_259 : vector<16xf32>
            %add3A_265 = arith.addf %add3A_243, %mul3A_264 : vector<16xf32>
            %mul3A_266 = arith.constant 8 : i32
            %mul3A_267 = arith.muli %scan3A_114, %mul3A_266 : i32
            %add3A_268 = arith.constant 7 : i32
            %add3A_269 = arith.addi %mul3A_267, %add3A_268 : i32
            %mul3A_270 = arith.constant 16 : i32
            %mul3A_271 = arith.muli %add3A_269, %mul3A_270 : i32
            %add3A_272 = arith.addi %mul3A_90, %mul3A_271 : i32
            %get3A_273 = arith.index_cast %add3A_272 : i32 to index
            %get3A_274 = tpu.vector_load %arg10[%get3A_273] {strides = array<i32>} : memref<16384xi32, #tpu.memory_space<vmem>>, vector<16xi32>,
            %shift_left3A_275 = arith.constant 16 : i32
            %shift_left3A_276 = vector.broadcast %shift_left3A_275 : i32 to vector<16xi32>
            %shift_left3A_277 = arith.shli %get3A_274, %shift_left3A_276 : vector<16xi32>
            %bitcast_convert_type3A_278 = tpu.bitcast %shift_left3A_277 : vector<16xi32> -> vector<16xf32>
            %and3A_279 = vector.broadcast %scan3A_91 : i32 to vector<16xi32>
            %and3A_280 = arith.andi %get3A_274, %and3A_279 : vector<16xi32>
            %bitcast_convert_type3A_281 = tpu.bitcast %and3A_280 : vector<16xi32> -> vector<16xf32>
            %get3A_282 = arith.index_cast %add3A_272 : i32 to index
            %get3A_283 = tpu.vector_load %arg9[%get3A_282] {strides = array<i32>} : memref<16384xf32, #tpu.memory_space<vmem>>, vector<16xf32>,
            %mul3A_284 = arith.mulf %get3A_283, %bitcast_convert_type3A_278 : vector<16xf32>
            %add3A_285 = arith.addf %add3A_263, %mul3A_284 : vector<16xf32>
            %mul3A_286 = arith.mulf %get3A_283, %bitcast_convert_type3A_281 : vector<16xf32>
            %add3A_287 = arith.addf %add3A_265, %mul3A_286 : vector<16xf32>
            %mul3A_288 = arith.constant 16 : i32
            %mul3A_289 = arith.muli %scan3A_114, %mul3A_288 : i32
            %swap3A = arith.index_cast %mul3A_289 : i32 to index
            %swap3A_290 = tpu.vector_load %arg11[%swap3A] {strides = array<i32>} : memref<1024xf32, #tpu.memory_space<vmem>>, vector<16xf32>,
            tpu.vector_store %arg11[%swap3A], %add3A_285 {strides = array<i32>} : memref<1024xf32, #tpu.memory_space<vmem>>, vector<16xf32>,
            %mul3A_291 = arith.constant 16 : i32
            %mul3A_292 = arith.muli %scan3A_114, %mul3A_291 : i32
            %swap3A_293 = arith.index_cast %mul3A_292 : i32 to index
            %swap3A_294 = tpu.vector_load %arg12[%swap3A_293] {strides = array<i32>} : memref<1024xf32, #tpu.memory_space<vmem>>, vector<16xf32>,
            tpu.vector_store %arg12[%swap3A_293], %add3A_287 {strides = array<i32>} : memref<1024xf32, #tpu.memory_space<vmem>>, vector<16xf32>,
            %scan3A_295 = arith.constant 0 : i32
            %scan3A_296 = arith.constant 1 : i32
            %scan3A_297 = arith.addi %scan3A_114, %scan3A_296 : i32
            %mul3A_298 = arith.constant 8 : i32
            %mul3A_299 = arith.muli %scan3A_297, %mul3A_298 : i32
            %add3A_300 = arith.constant 0 : i32
            %add3A_301 = arith.addi %mul3A_299, %add3A_300 : i32
            %mul3A_302 = arith.constant 16 : i32
            %mul3A_303 = arith.muli %add3A_301, %mul3A_302 : i32
            %add3A_304 = arith.addi %mul3A_90, %mul3A_303 : i32
            %get3A_305 = arith.index_cast %add3A_304 : i32 to index
            %get3A_306 = tpu.vector_load %arg10[%get3A_305] {strides = array<i32>} : memref<16384xi32, #tpu.memory_space<vmem>>, vector<16xi32>,
            %shift_left3A_307 = arith.constant 16 : i32
            %shift_left3A_308 = vector.broadcast %shift_left3A_307 : i32 to vector<16xi32>
            %shift_left3A_309 = arith.shli %get3A_306, %shift_left3A_308 : vector<16xi32>
            %bitcast_convert_type3A_310 = tpu.bitcast %shift_left3A_309 : vector<16xi32> -> vector<16xf32>
            %and3A_311 = vector.broadcast %scan3A_91 : i32 to vector<16xi32>
            %and3A_312 = arith.andi %get3A_306, %and3A_311 : vector<16xi32>
            %bitcast_convert_type3A_313 = tpu.bitcast %and3A_312 : vector<16xi32> -> vector<16xf32>
            %get3A_314 = arith.index_cast %add3A_304 : i32 to index
            %get3A_315 = tpu.vector_load %arg9[%get3A_314] {strides = array<i32>} : memref<16384xf32, #tpu.memory_space<vmem>>, vector<16xf32>,
            %mul3A_316 = arith.mulf %get3A_315, %bitcast_convert_type3A_310 : vector<16xf32>
            %mul3A_317 = arith.mulf %get3A_315, %bitcast_convert_type3A_313 : vector<16xf32>
            %mul3A_318 = arith.constant 8 : i32
            %mul3A_319 = arith.muli %scan3A_297, %mul3A_318 : i32
            %add3A_320 = arith.constant 1 : i32
            %add3A_321 = arith.addi %mul3A_319, %add3A_320 : i32
            %mul3A_322 = arith.constant 16 : i32
            %mul3A_323 = arith.muli %add3A_321, %mul3A_322 : i32
            %add3A_324 = arith.addi %mul3A_90, %mul3A_323 : i32
            %get3A_325 = arith.index_cast %add3A_324 : i32 to index
            %get3A_326 = tpu.vector_load %arg10[%get3A_325] {strides = array<i32>} : memref<16384xi32, #tpu.memory_space<vmem>>, vector<16xi32>,
            %shift_left3A_327 = arith.constant 16 : i32
            %shift_left3A_328 = vector.broadcast %shift_left3A_327 : i32 to vector<16xi32>
            %shift_left3A_329 = arith.shli %get3A_326, %shift_left3A_328 : vector<16xi32>
            %bitcast_convert_type3A_330 = tpu.bitcast %shift_left3A_329 : vector<16xi32> -> vector<16xf32>
            %and3A_331 = vector.broadcast %scan3A_91 : i32 to vector<16xi32>
            %and3A_332 = arith.andi %get3A_326, %and3A_331 : vector<16xi32>
            %bitcast_convert_type3A_333 = tpu.bitcast %and3A_332 : vector<16xi32> -> vector<16xf32>
            %get3A_334 = arith.index_cast %add3A_324 : i32 to index
            %get3A_335 = tpu.vector_load %arg9[%get3A_334] {strides = array<i32>} : memref<16384xf32, #tpu.memory_space<vmem>>, vector<16xf32>,
            %mul3A_336 = arith.mulf %get3A_335, %bitcast_convert_type3A_330 : vector<16xf32>
            %add3A_337 = arith.addf %mul3A_316, %mul3A_336 : vector<16xf32>
            %mul3A_338 = arith.mulf %get3A_335, %bitcast_convert_type3A_333 : vector<16xf32>
            %add3A_339 = arith.addf %mul3A_317, %mul3A_338 : vector<16xf32>
            %mul3A_340 = arith.constant 8 : i32
            %mul3A_341 = arith.muli %scan3A_297, %mul3A_340 : i32
            %add3A_342 = arith.constant 2 : i32
            %add3A_343 = arith.addi %mul3A_341, %add3A_342 : i32
            %mul3A_344 = arith.constant 16 : i32
            %mul3A_345 = arith.muli %add3A_343, %mul3A_344 : i32
            %add3A_346 = arith.addi %mul3A_90, %mul3A_345 : i32
            %get3A_347 = arith.index_cast %add3A_346 : i32 to index
            %get3A_348 = tpu.vector_load %arg10[%get3A_347] {strides = array<i32>} : memref<16384xi32, #tpu.memory_space<vmem>>, vector<16xi32>,
            %shift_left3A_349 = arith.constant 16 : i32
            %shift_left3A_350 = vector.broadcast %shift_left3A_349 : i32 to vector<16xi32>
            %shift_left3A_351 = arith.shli %get3A_348, %shift_left3A_350 : vector<16xi32>
            %bitcast_convert_type3A_352 = tpu.bitcast %shift_left3A_351 : vector<16xi32> -> vector<16xf32>
            %and3A_353 = vector.broadcast %scan3A_91 : i32 to vector<16xi32>
            %and3A_354 = arith.andi %get3A_348, %and3A_353 : vector<16xi32>
            %bitcast_convert_type3A_355 = tpu.bitcast %and3A_354 : vector<16xi32> -> vector<16xf32>
            %get3A_356 = arith.index_cast %add3A_346 : i32 to index
            %get3A_357 = tpu.vector_load %arg9[%get3A_356] {strides = array<i32>} : memref<16384xf32, #tpu.memory_space<vmem>>, vector<16xf32>,
            %mul3A_358 = arith.mulf %get3A_357, %bitcast_convert_type3A_352 : vector<16xf32>
            %add3A_359 = arith.addf %add3A_337, %mul3A_358 : vector<16xf32>
            %mul3A_360 = arith.mulf %get3A_357, %bitcast_convert_type3A_355 : vector<16xf32>
            %add3A_361 = arith.addf %add3A_339, %mul3A_360 : vector<16xf32>
            %mul3A_362 = arith.constant 8 : i32
            %mul3A_363 = arith.muli %scan3A_297, %mul3A_362 : i32
            %add3A_364 = arith.constant 3 : i32
            %add3A_365 = arith.addi %mul3A_363, %add3A_364 : i32
            %mul3A_366 = arith.constant 16 : i32
            %mul3A_367 = arith.muli %add3A_365, %mul3A_366 : i32
            %add3A_368 = arith.addi %mul3A_90, %mul3A_367 : i32
            %get3A_369 = arith.index_cast %add3A_368 : i32 to index
            %get3A_370 = tpu.vector_load %arg10[%get3A_369] {strides = array<i32>} : memref<16384xi32, #tpu.memory_space<vmem>>, vector<16xi32>,
            %shift_left3A_371 = arith.constant 16 : i32
            %shift_left3A_372 = vector.broadcast %shift_left3A_371 : i32 to vector<16xi32>
            %shift_left3A_373 = arith.shli %get3A_370, %shift_left3A_372 : vector<16xi32>
            %bitcast_convert_type3A_374 = tpu.bitcast %shift_left3A_373 : vector<16xi32> -> vector<16xf32>
            %and3A_375 = vector.broadcast %scan3A_91 : i32 to vector<16xi32>
            %and3A_376 = arith.andi %get3A_370, %and3A_375 : vector<16xi32>
            %bitcast_convert_type3A_377 = tpu.bitcast %and3A_376 : vector<16xi32> -> vector<16xf32>
            %get3A_378 = arith.index_cast %add3A_368 : i32 to index
            %get3A_379 = tpu.vector_load %arg9[%get3A_378] {strides = array<i32>} : memref<16384xf32, #tpu.memory_space<vmem>>, vector<16xf32>,
            %mul3A_380 = arith.mulf %get3A_379, %bitcast_convert_type3A_374 : vector<16xf32>
            %add3A_381 = arith.addf %add3A_359, %mul3A_380 : vector<16xf32>
            %mul3A_382 = arith.mulf %get3A_379, %bitcast_convert_type3A_377 : vector<16xf32>
            %add3A_383 = arith.addf %add3A_361, %mul3A_382 : vector<16xf32>
            %mul3A_384 = arith.constant 8 : i32
            %mul3A_385 = arith.muli %scan3A_297, %mul3A_384 : i32
            %add3A_386 = arith.constant 4 : i32
            %add3A_387 = arith.addi %mul3A_385, %add3A_386 : i32
            %mul3A_388 = arith.constant 16 : i32
            %mul3A_389 = arith.muli %add3A_387, %mul3A_388 : i32
            %add3A_390 = arith.addi %mul3A_90, %mul3A_389 : i32
            %get3A_391 = arith.index_cast %add3A_390 : i32 to index
            %get3A_392 = tpu.vector_load %arg10[%get3A_391] {strides = array<i32>} : memref<16384xi32, #tpu.memory_space<vmem>>, vector<16xi32>,
            %shift_left3A_393 = arith.constant 16 : i32
            %shift_left3A_394 = vector.broadcast %shift_left3A_393 : i32 to vector<16xi32>
            %shift_left3A_395 = arith.shli %get3A_392, %shift_left3A_394 : vector<16xi32>
            %bitcast_convert_type3A_396 = tpu.bitcast %shift_left3A_395 : vector<16xi32> -> vector<16xf32>
            %and3A_397 = vector.broadcast %scan3A_91 : i32 to vector<16xi32>
            %and3A_398 = arith.andi %get3A_392, %and3A_397 : vector<16xi32>
            %bitcast_convert_type3A_399 = tpu.bitcast %and3A_398 : vector<16xi32> -> vector<16xf32>
            %get3A_400 = arith.index_cast %add3A_390 : i32 to index
            %get3A_401 = tpu.vector_load %arg9[%get3A_400] {strides = array<i32>} : memref<16384xf32, #tpu.memory_space<vmem>>, vector<16xf32>,
            %mul3A_402 = arith.mulf %get3A_401, %bitcast_convert_type3A_396 : vector<16xf32>
            %add3A_403 = arith.addf %add3A_381, %mul3A_402 : vector<16xf32>
            %mul3A_404 = arith.mulf %get3A_401, %bitcast_convert_type3A_399 : vector<16xf32>
            %add3A_405 = arith.addf %add3A_383, %mul3A_404 : vector<16xf32>
            %mul3A_406 = arith.constant 8 : i32
            %mul3A_407 = arith.muli %scan3A_297, %mul3A_406 : i32
            %add3A_408 = arith.constant 5 : i32
            %add3A_409 = arith.addi %mul3A_407, %add3A_408 : i32
            %mul3A_410 = arith.constant 16 : i32
            %mul3A_411 = arith.muli %add3A_409, %mul3A_410 : i32
            %add3A_412 = arith.addi %mul3A_90, %mul3A_411 : i32
            %get3A_413 = arith.index_cast %add3A_412 : i32 to index
            %get3A_414 = tpu.vector_load %arg10[%get3A_413] {strides = array<i32>} : memref<16384xi32, #tpu.memory_space<vmem>>, vector<16xi32>,
            %shift_left3A_415 = arith.constant 16 : i32
            %shift_left3A_416 = vector.broadcast %shift_left3A_415 : i32 to vector<16xi32>
            %shift_left3A_417 = arith.shli %get3A_414, %shift_left3A_416 : vector<16xi32>
            %bitcast_convert_type3A_418 = tpu.bitcast %shift_left3A_417 : vector<16xi32> -> vector<16xf32>
            %and3A_419 = vector.broadcast %scan3A_91 : i32 to vector<16xi32>
            %and3A_420 = arith.andi %get3A_414, %and3A_419 : vector<16xi32>
            %bitcast_convert_type3A_421 = tpu.bitcast %and3A_420 : vector<16xi32> -> vector<16xf32>
            %get3A_422 = arith.index_cast %add3A_412 : i32 to index
            %get3A_423 = tpu.vector_load %arg9[%get3A_422] {strides = array<i32>} : memref<16384xf32, #tpu.memory_space<vmem>>, vector<16xf32>,
            %mul3A_424 = arith.mulf %get3A_423, %bitcast_convert_type3A_418 : vector<16xf32>
            %add3A_425 = arith.addf %add3A_403, %mul3A_424 : vector<16xf32>
            %mul3A_426 = arith.mulf %get3A_423, %bitcast_convert_type3A_421 : vector<16xf32>
            %add3A_427 = arith.addf %add3A_405, %mul3A_426 : vector<16xf32>
            %mul3A_428 = arith.constant 8 : i32
            %mul3A_429 = arith.muli %scan3A_297, %mul3A_428 : i32
            %add3A_430 = arith.constant 6 : i32
            %add3A_431 = arith.addi %mul3A_429, %add3A_430 : i32
            %mul3A_432 = arith.constant 16 : i32
            %mul3A_433 = arith.muli %add3A_431, %mul3A_432 : i32
            %add3A_434 = arith.addi %mul3A_90, %mul3A_433 : i32
            %get3A_435 = arith.index_cast %add3A_434 : i32 to index
            %get3A_436 = tpu.vector_load %arg10[%get3A_435] {strides = array<i32>} : memref<16384xi32, #tpu.memory_space<vmem>>, vector<16xi32>,
            %shift_left3A_437 = arith.constant 16 : i32
            %shift_left3A_438 = vector.broadcast %shift_left3A_437 : i32 to vector<16xi32>
            %shift_left3A_439 = arith.shli %get3A_436, %shift_left3A_438 : vector<16xi32>
            %bitcast_convert_type3A_440 = tpu.bitcast %shift_left3A_439 : vector<16xi32> -> vector<16xf32>
            %and3A_441 = vector.broadcast %scan3A_91 : i32 to vector<16xi32>
            %and3A_442 = arith.andi %get3A_436, %and3A_441 : vector<16xi32>
            %bitcast_convert_type3A_443 = tpu.bitcast %and3A_442 : vector<16xi32> -> vector<16xf32>
            %get3A_444 = arith.index_cast %add3A_434 : i32 to index
            %get3A_445 = tpu.vector_load %arg9[%get3A_444] {strides = array<i32>} : memref<16384xf32, #tpu.memory_space<vmem>>, vector<16xf32>,
            %mul3A_446 = arith.mulf %get3A_445, %bitcast_convert_type3A_440 : vector<16xf32>
            %add3A_447 = arith.addf %add3A_425, %mul3A_446 : vector<16xf32>
            %mul3A_448 = arith.mulf %get3A_445, %bitcast_convert_type3A_443 : vector<16xf32>
            %add3A_449 = arith.addf %add3A_427, %mul3A_448 : vector<16xf32>
            %mul3A_450 = arith.constant 8 : i32
            %mul3A_451 = arith.muli %scan3A_297, %mul3A_450 : i32
            %add3A_452 = arith.constant 7 : i32
            %add3A_453 = arith.addi %mul3A_451, %add3A_452 : i32
            %mul3A_454 = arith.constant 16 : i32
            %mul3A_455 = arith.muli %add3A_453, %mul3A_454 : i32
            %add3A_456 = arith.addi %mul3A_90, %mul3A_455 : i32
            %get3A_457 = arith.index_cast %add3A_456 : i32 to index
            %get3A_458 = tpu.vector_load %arg10[%get3A_457] {strides = array<i32>} : memref<16384xi32, #tpu.memory_space<vmem>>, vector<16xi32>,
            %shift_left3A_459 = arith.constant 16 : i32
            %shift_left3A_460 = vector.broadcast %shift_left3A_459 : i32 to vector<16xi32>
            %shift_left3A_461 = arith.shli %get3A_458, %shift_left3A_460 : vector<16xi32>
            %bitcast_convert_type3A_462 = tpu.bitcast %shift_left3A_461 : vector<16xi32> -> vector<16xf32>
            %and3A_463 = vector.broadcast %scan3A_91 : i32 to vector<16xi32>
            %and3A_464 = arith.andi %get3A_458, %and3A_463 : vector<16xi32>
            %bitcast_convert_type3A_465 = tpu.bitcast %and3A_464 : vector<16xi32> -> vector<16xf32>
            %get3A_466 = arith.index_cast %add3A_456 : i32 to index
            %get3A_467 = tpu.vector_load %arg9[%get3A_466] {strides = array<i32>} : memref<16384xf32, #tpu.memory_space<vmem>>, vector<16xf32>,
            %mul3A_468 = arith.mulf %get3A_467, %bitcast_convert_type3A_462 : vector<16xf32>
            %add3A_469 = arith.addf %add3A_447, %mul3A_468 : vector<16xf32>
            %mul3A_470 = arith.mulf %get3A_467, %bitcast_convert_type3A_465 : vector<16xf32>
            %add3A_471 = arith.addf %add3A_449, %mul3A_470 : vector<16xf32>
            %mul3A_472 = arith.constant 16 : i32
            %mul3A_473 = arith.muli %scan3A_297, %mul3A_472 : i32
            %swap3A_474 = arith.index_cast %mul3A_473 : i32 to index
            %swap3A_475 = tpu.vector_load %arg11[%swap3A_474] {strides = array<i32>} : memref<1024xf32, #tpu.memory_space<vmem>>, vector<16xf32>,
            tpu.vector_store %arg11[%swap3A_474], %add3A_469 {strides = array<i32>} : memref<1024xf32, #tpu.memory_space<vmem>>, vector<16xf32>,
            %mul3A_476 = arith.constant 16 : i32
            %mul3A_477 = arith.muli %scan3A_297, %mul3A_476 : i32
            %swap3A_478 = arith.index_cast %mul3A_477 : i32 to index
            %swap3A_479 = tpu.vector_load %arg12[%swap3A_478] {strides = array<i32>} : memref<1024xf32, #tpu.memory_space<vmem>>, vector<16xf32>,
            tpu.vector_store %arg12[%swap3A_478], %add3A_471 {strides = array<i32>} : memref<1024xf32, #tpu.memory_space<vmem>>, vector<16xf32>,
            %scan3A_480 = arith.constant 0 : i32
            scf.yield %scan3A_480 : i32
          }
          %scan3A_98 = arith.constant 64 : i32
          %mul3A_99 = arith.constant 1024 : i32
          %mul3A_100 = arith.muli %sub3A_86, %mul3A_99 : i32
          %add3A_101 = arith.addi %mul3A_2, %mul3A_100 : i32
          %mul3A_102 = arith.constant 2 : i32
          %mul3A_103 = arith.muli %mul3A_102, %scan3A_9 : i32
          %mul3A_104 = arith.constant 524288 : i32
          %mul3A_105 = arith.muli %mul3A_103, %mul3A_104 : i32
          %add3A_106 = arith.addi %mul3A_105, %add3A_101 : i32
          "tpu.region"() ({
            %run_scoped3A = tpu.sem_alloc : memref<!tpu.dma_semaphore, #tpu.memory_space<semaphore_mem>>
            %dma_start3A_114 = tpu.memref_slice %arg5[%add3A_106] : memref<16777216xf32, #tpu.memory_space<hbm>> -> memref<1024xf32, #tpu.memory_space<hbm>>
            %dma_start3A_115 = tpu.memref_slice %arg5[%add3A_106] : memref<16777216xf32, #tpu.memory_space<hbm>> -> memref<1024xf32, #tpu.memory_space<hbm>>
            tpu.enqueue_dma source(%arg11 : memref<1024xf32, #tpu.memory_space<vmem>>) target(%dma_start3A_115 : memref<1024xf32, #tpu.memory_space<hbm>>) target_semaphore(%run_scoped3A : memref<!tpu.dma_semaphore, #tpu.memory_space<semaphore_mem>>)
            %dma_wait3A_116 = tpu.memref_slice %arg5[%add3A_106] : memref<16777216xf32, #tpu.memory_space<hbm>> -> memref<1024xf32, #tpu.memory_space<hbm>>
            %dma_wait3A_117 = tpu.memref_slice %arg5[%add3A_106] : memref<16777216xf32, #tpu.memory_space<hbm>> -> memref<1024xf32, #tpu.memory_space<hbm>>
            tpu.wait_dma2 semaphore(%run_scoped3A : memref<!tpu.dma_semaphore, #tpu.memory_space<semaphore_mem>>) src(%arg11 : memref<1024xf32, #tpu.memory_space<vmem>>) dst(%dma_wait3A_117 : memref<1024xf32, #tpu.memory_space<hbm>>)
            tpu.yield
          }) : () -> ()
          %mul3A_107 = arith.constant 2 : i32
          %mul3A_108 = arith.muli %mul3A_107, %scan3A_9 : i32
          %add3A_109 = arith.constant 1 : i32
          %add3A_110 = arith.addi %mul3A_108, %add3A_109 : i32
          %mul3A_111 = arith.constant 524288 : i32
          %mul3A_112 = arith.muli %add3A_110, %mul3A_111 : i32
          %add3A_113 = arith.addi %mul3A_112, %add3A_101 : i32
          "tpu.region"() ({
            %run_scoped3A = tpu.sem_alloc : memref<!tpu.dma_semaphore, #tpu.memory_space<semaphore_mem>>
            %dma_start3A_114 = tpu.memref_slice %arg5[%add3A_113] : memref<16777216xf32, #tpu.memory_space<hbm>> -> memref<1024xf32, #tpu.memory_space<hbm>>
            %dma_start3A_115 = tpu.memref_slice %arg5[%add3A_113] : memref<16777216xf32, #tpu.memory_space<hbm>> -> memref<1024xf32, #tpu.memory_space<hbm>>
            tpu.enqueue_dma source(%arg12 : memref<1024xf32, #tpu.memory_space<vmem>>) target(%dma_start3A_115 : memref<1024xf32, #tpu.memory_space<hbm>>) target_semaphore(%run_scoped3A : memref<!tpu.dma_semaphore, #tpu.memory_space<semaphore_mem>>)
            %dma_wait3A_116 = tpu.memref_slice %arg5[%add3A_113] : memref<16777216xf32, #tpu.memory_space<hbm>> -> memref<1024xf32, #tpu.memory_space<hbm>>
            %dma_wait3A_117 = tpu.memref_slice %arg5[%add3A_113] : memref<16777216xf32, #tpu.memory_space<hbm>> -> memref<1024xf32, #tpu.memory_space<hbm>>
            tpu.wait_dma2 semaphore(%run_scoped3A : memref<!tpu.dma_semaphore, #tpu.memory_space<semaphore_mem>>) src(%arg12 : memref<1024xf32, #tpu.memory_space<vmem>>) dst(%dma_wait3A_117 : memref<1024xf32, #tpu.memory_space<hbm>>)
            tpu.yield
          }) : () -> ()
        } else {
        }
      }
      %scan3A_25 = arith.constant 16 : i32
      %dma_wait3A = arith.constant 8192 : i32
      %dma_wait3A_26 = tpu.memref_slice %arg10[%dma_wait3A] : memref<16384xi32, #tpu.memory_space<vmem>> -> memref<8192xi32, #tpu.memory_space<vmem>>
      %dma_wait3A_27 = arith.constant 8192 : i32
      %dma_wait3A_28 = tpu.memref_slice %arg8[%dma_wait3A_27] : memref<16384xi32, #tpu.memory_space<vmem>> -> memref<8192xi32, #tpu.memory_space<vmem>>
      %dma_wait3A_29 = arith.constant 0 : i32
      %dma_wait3A_30 = tpu.memref_slice %arg15[%dma_wait3A_29] : memref<524288xi32, #tpu.memory_space<vmem_shared>> -> memref<524288xi32, #tpu.memory_space<vmem_shared>>
      tpu.wait_indirect_dma semaphore(%arg16 : memref<!tpu.dma_semaphore, #tpu.memory_space<semaphore_mem>>) src(%dma_wait3A_30 : memref<524288xi32, #tpu.memory_space<vmem_shared>>) dst(%dma_wait3A_26 : memref<8192xi32, #tpu.memory_space<vmem>>)
      %scan3A_31 = arith.constant -65536 : i32
      %scan3A_32 = arith.constant 0 : i32
      %scan3A_33 = arith.constant 0 : i32
      %scan3A_34 = arith.constant 64 : i32
      %scan3A_35 = arith.addi %scan3A_33, %scan3A_34 : i32
      %scan3A_36 = arith.constant 2 : i32
      %scan3A_37 = scf.for %scan3A_53 = %scan3A_33 to %scan3A_35 step %scan3A_36 iter_args(%scan3A_54 = %scan3A_32) -> (i32)  : i32 {
        %mul3A_55 = arith.constant 8 : i32
        %mul3A_56 = arith.muli %scan3A_53, %mul3A_55 : i32
        %add3A_57 = arith.constant 0 : i32
        %add3A_58 = arith.addi %mul3A_56, %add3A_57 : i32
        %mul3A_59 = arith.constant 16 : i32
        %mul3A_60 = arith.muli %add3A_58, %mul3A_59 : i32
        %add3A_61 = arith.constant 8192 : i32
        %add3A_62 = arith.addi %add3A_61, %mul3A_60 : i32
        %get3A_63 = arith.index_cast %add3A_62 : i32 to index
        %get3A_64 = tpu.vector_load %arg10[%get3A_63] {strides = array<i32>} : memref<16384xi32, #tpu.memory_space<vmem>>, vector<16xi32>,
        %shift_left3A = arith.constant 16 : i32
        %shift_left3A_65 = vector.broadcast %shift_left3A : i32 to vector<16xi32>
        %shift_left3A_66 = arith.shli %get3A_64, %shift_left3A_65 : vector<16xi32>
        %bitcast_convert_type3A = tpu.bitcast %shift_left3A_66 : vector<16xi32> -> vector<16xf32>
        %and3A = vector.broadcast %scan3A_31 : i32 to vector<16xi32>
        %and3A_67 = arith.andi %get3A_64, %and3A : vector<16xi32>
        %bitcast_convert_type3A_68 = tpu.bitcast %and3A_67 : vector<16xi32> -> vector<16xf32>
        %get3A_69 = arith.index_cast %add3A_62 : i32 to index
        %get3A_70 = tpu.vector_load %arg9[%get3A_69] {strides = array<i32>} : memref<16384xf32, #tpu.memory_space<vmem>>, vector<16xf32>,
        %mul3A_71 = arith.mulf %get3A_70, %bitcast_convert_type3A : vector<16xf32>
        %mul3A_72 = arith.mulf %get3A_70, %bitcast_convert_type3A_68 : vector<16xf32>
        %mul3A_73 = arith.constant 8 : i32
        %mul3A_74 = arith.muli %scan3A_53, %mul3A_73 : i32
        %add3A_75 = arith.constant 1 : i32
        %add3A_76 = arith.addi %mul3A_74, %add3A_75 : i32
        %mul3A_77 = arith.constant 16 : i32
        %mul3A_78 = arith.muli %add3A_76, %mul3A_77 : i32
        %add3A_79 = arith.constant 8192 : i32
        %add3A_80 = arith.addi %add3A_79, %mul3A_78 : i32
        %get3A_81 = arith.index_cast %add3A_80 : i32 to index
        %get3A_82 = tpu.vector_load %arg10[%get3A_81] {strides = array<i32>} : memref<16384xi32, #tpu.memory_space<vmem>>, vector<16xi32>,
        %shift_left3A_83 = arith.constant 16 : i32
        %shift_left3A_84 = vector.broadcast %shift_left3A_83 : i32 to vector<16xi32>
        %shift_left3A_85 = arith.shli %get3A_82, %shift_left3A_84 : vector<16xi32>
        %bitcast_convert_type3A_86 = tpu.bitcast %shift_left3A_85 : vector<16xi32> -> vector<16xf32>
        %and3A_87 = vector.broadcast %scan3A_31 : i32 to vector<16xi32>
        %and3A_88 = arith.andi %get3A_82, %and3A_87 : vector<16xi32>
        %bitcast_convert_type3A_89 = tpu.bitcast %and3A_88 : vector<16xi32> -> vector<16xf32>
        %get3A_90 = arith.index_cast %add3A_80 : i32 to index
        %get3A_91 = tpu.vector_load %arg9[%get3A_90] {strides = array<i32>} : memref<16384xf32, #tpu.memory_space<vmem>>, vector<16xf32>,
        %mul3A_92 = arith.mulf %get3A_91, %bitcast_convert_type3A_86 : vector<16xf32>
        %add3A_93 = arith.addf %mul3A_71, %mul3A_92 : vector<16xf32>
        %mul3A_94 = arith.mulf %get3A_91, %bitcast_convert_type3A_89 : vector<16xf32>
        %add3A_95 = arith.addf %mul3A_72, %mul3A_94 : vector<16xf32>
        %mul3A_96 = arith.constant 8 : i32
        %mul3A_97 = arith.muli %scan3A_53, %mul3A_96 : i32
        %add3A_98 = arith.constant 2 : i32
        %add3A_99 = arith.addi %mul3A_97, %add3A_98 : i32
        %mul3A_100 = arith.constant 16 : i32
        %mul3A_101 = arith.muli %add3A_99, %mul3A_100 : i32
        %add3A_102 = arith.constant 8192 : i32
        %add3A_103 = arith.addi %add3A_102, %mul3A_101 : i32
        %get3A_104 = arith.index_cast %add3A_103 : i32 to index
        %get3A_105 = tpu.vector_load %arg10[%get3A_104] {strides = array<i32>} : memref<16384xi32, #tpu.memory_space<vmem>>, vector<16xi32>,
        %shift_left3A_106 = arith.constant 16 : i32
        %shift_left3A_107 = vector.broadcast %shift_left3A_106 : i32 to vector<16xi32>
        %shift_left3A_108 = arith.shli %get3A_105, %shift_left3A_107 : vector<16xi32>
        %bitcast_convert_type3A_109 = tpu.bitcast %shift_left3A_108 : vector<16xi32> -> vector<16xf32>
        %and3A_110 = vector.broadcast %scan3A_31 : i32 to vector<16xi32>
        %and3A_111 = arith.andi %get3A_105, %and3A_110 : vector<16xi32>
        %bitcast_convert_type3A_112 = tpu.bitcast %and3A_111 : vector<16xi32> -> vector<16xf32>
        %get3A_113 = arith.index_cast %add3A_103 : i32 to index
        %get3A_114 = tpu.vector_load %arg9[%get3A_113] {strides = array<i32>} : memref<16384xf32, #tpu.memory_space<vmem>>, vector<16xf32>,
        %mul3A_115 = arith.mulf %get3A_114, %bitcast_convert_type3A_109 : vector<16xf32>
        %add3A_116 = arith.addf %add3A_93, %mul3A_115 : vector<16xf32>
        %mul3A_117 = arith.mulf %get3A_114, %bitcast_convert_type3A_112 : vector<16xf32>
        %add3A_118 = arith.addf %add3A_95, %mul3A_117 : vector<16xf32>
        %mul3A_119 = arith.constant 8 : i32
        %mul3A_120 = arith.muli %scan3A_53, %mul3A_119 : i32
        %add3A_121 = arith.constant 3 : i32
        %add3A_122 = arith.addi %mul3A_120, %add3A_121 : i32
        %mul3A_123 = arith.constant 16 : i32
        %mul3A_124 = arith.muli %add3A_122, %mul3A_123 : i32
        %add3A_125 = arith.constant 8192 : i32
        %add3A_126 = arith.addi %add3A_125, %mul3A_124 : i32
        %get3A_127 = arith.index_cast %add3A_126 : i32 to index
        %get3A_128 = tpu.vector_load %arg10[%get3A_127] {strides = array<i32>} : memref<16384xi32, #tpu.memory_space<vmem>>, vector<16xi32>,
        %shift_left3A_129 = arith.constant 16 : i32
        %shift_left3A_130 = vector.broadcast %shift_left3A_129 : i32 to vector<16xi32>
        %shift_left3A_131 = arith.shli %get3A_128, %shift_left3A_130 : vector<16xi32>
        %bitcast_convert_type3A_132 = tpu.bitcast %shift_left3A_131 : vector<16xi32> -> vector<16xf32>
        %and3A_133 = vector.broadcast %scan3A_31 : i32 to vector<16xi32>
        %and3A_134 = arith.andi %get3A_128, %and3A_133 : vector<16xi32>
        %bitcast_convert_type3A_135 = tpu.bitcast %and3A_134 : vector<16xi32> -> vector<16xf32>
        %get3A_136 = arith.index_cast %add3A_126 : i32 to index
        %get3A_137 = tpu.vector_load %arg9[%get3A_136] {strides = array<i32>} : memref<16384xf32, #tpu.memory_space<vmem>>, vector<16xf32>,
        %mul3A_138 = arith.mulf %get3A_137, %bitcast_convert_type3A_132 : vector<16xf32>
        %add3A_139 = arith.addf %add3A_116, %mul3A_138 : vector<16xf32>
        %mul3A_140 = arith.mulf %get3A_137, %bitcast_convert_type3A_135 : vector<16xf32>
        %add3A_141 = arith.addf %add3A_118, %mul3A_140 : vector<16xf32>
        %mul3A_142 = arith.constant 8 : i32
        %mul3A_143 = arith.muli %scan3A_53, %mul3A_142 : i32
        %add3A_144 = arith.constant 4 : i32
        %add3A_145 = arith.addi %mul3A_143, %add3A_144 : i32
        %mul3A_146 = arith.constant 16 : i32
        %mul3A_147 = arith.muli %add3A_145, %mul3A_146 : i32
        %add3A_148 = arith.constant 8192 : i32
        %add3A_149 = arith.addi %add3A_148, %mul3A_147 : i32
        %get3A_150 = arith.index_cast %add3A_149 : i32 to index
        %get3A_151 = tpu.vector_load %arg10[%get3A_150] {strides = array<i32>} : memref<16384xi32, #tpu.memory_space<vmem>>, vector<16xi32>,
        %shift_left3A_152 = arith.constant 16 : i32
        %shift_left3A_153 = vector.broadcast %shift_left3A_152 : i32 to vector<16xi32>
        %shift_left3A_154 = arith.shli %get3A_151, %shift_left3A_153 : vector<16xi32>
        %bitcast_convert_type3A_155 = tpu.bitcast %shift_left3A_154 : vector<16xi32> -> vector<16xf32>
        %and3A_156 = vector.broadcast %scan3A_31 : i32 to vector<16xi32>
        %and3A_157 = arith.andi %get3A_151, %and3A_156 : vector<16xi32>
        %bitcast_convert_type3A_158 = tpu.bitcast %and3A_157 : vector<16xi32> -> vector<16xf32>
        %get3A_159 = arith.index_cast %add3A_149 : i32 to index
        %get3A_160 = tpu.vector_load %arg9[%get3A_159] {strides = array<i32>} : memref<16384xf32, #tpu.memory_space<vmem>>, vector<16xf32>,
        %mul3A_161 = arith.mulf %get3A_160, %bitcast_convert_type3A_155 : vector<16xf32>
        %add3A_162 = arith.addf %add3A_139, %mul3A_161 : vector<16xf32>
        %mul3A_163 = arith.mulf %get3A_160, %bitcast_convert_type3A_158 : vector<16xf32>
        %add3A_164 = arith.addf %add3A_141, %mul3A_163 : vector<16xf32>
        %mul3A_165 = arith.constant 8 : i32
        %mul3A_166 = arith.muli %scan3A_53, %mul3A_165 : i32
        %add3A_167 = arith.constant 5 : i32
        %add3A_168 = arith.addi %mul3A_166, %add3A_167 : i32
        %mul3A_169 = arith.constant 16 : i32
        %mul3A_170 = arith.muli %add3A_168, %mul3A_169 : i32
        %add3A_171 = arith.constant 8192 : i32
        %add3A_172 = arith.addi %add3A_171, %mul3A_170 : i32
        %get3A_173 = arith.index_cast %add3A_172 : i32 to index
        %get3A_174 = tpu.vector_load %arg10[%get3A_173] {strides = array<i32>} : memref<16384xi32, #tpu.memory_space<vmem>>, vector<16xi32>,
        %shift_left3A_175 = arith.constant 16 : i32
        %shift_left3A_176 = vector.broadcast %shift_left3A_175 : i32 to vector<16xi32>
        %shift_left3A_177 = arith.shli %get3A_174, %shift_left3A_176 : vector<16xi32>
        %bitcast_convert_type3A_178 = tpu.bitcast %shift_left3A_177 : vector<16xi32> -> vector<16xf32>
        %and3A_179 = vector.broadcast %scan3A_31 : i32 to vector<16xi32>
        %and3A_180 = arith.andi %get3A_174, %and3A_179 : vector<16xi32>
        %bitcast_convert_type3A_181 = tpu.bitcast %and3A_180 : vector<16xi32> -> vector<16xf32>
        %get3A_182 = arith.index_cast %add3A_172 : i32 to index
        %get3A_183 = tpu.vector_load %arg9[%get3A_182] {strides = array<i32>} : memref<16384xf32, #tpu.memory_space<vmem>>, vector<16xf32>,
        %mul3A_184 = arith.mulf %get3A_183, %bitcast_convert_type3A_178 : vector<16xf32>
        %add3A_185 = arith.addf %add3A_162, %mul3A_184 : vector<16xf32>
        %mul3A_186 = arith.mulf %get3A_183, %bitcast_convert_type3A_181 : vector<16xf32>
        %add3A_187 = arith.addf %add3A_164, %mul3A_186 : vector<16xf32>
        %mul3A_188 = arith.constant 8 : i32
        %mul3A_189 = arith.muli %scan3A_53, %mul3A_188 : i32
        %add3A_190 = arith.constant 6 : i32
        %add3A_191 = arith.addi %mul3A_189, %add3A_190 : i32
        %mul3A_192 = arith.constant 16 : i32
        %mul3A_193 = arith.muli %add3A_191, %mul3A_192 : i32
        %add3A_194 = arith.constant 8192 : i32
        %add3A_195 = arith.addi %add3A_194, %mul3A_193 : i32
        %get3A_196 = arith.index_cast %add3A_195 : i32 to index
        %get3A_197 = tpu.vector_load %arg10[%get3A_196] {strides = array<i32>} : memref<16384xi32, #tpu.memory_space<vmem>>, vector<16xi32>,
        %shift_left3A_198 = arith.constant 16 : i32
        %shift_left3A_199 = vector.broadcast %shift_left3A_198 : i32 to vector<16xi32>
        %shift_left3A_200 = arith.shli %get3A_197, %shift_left3A_199 : vector<16xi32>
        %bitcast_convert_type3A_201 = tpu.bitcast %shift_left3A_200 : vector<16xi32> -> vector<16xf32>
        %and3A_202 = vector.broadcast %scan3A_31 : i32 to vector<16xi32>
        %and3A_203 = arith.andi %get3A_197, %and3A_202 : vector<16xi32>
        %bitcast_convert_type3A_204 = tpu.bitcast %and3A_203 : vector<16xi32> -> vector<16xf32>
        %get3A_205 = arith.index_cast %add3A_195 : i32 to index
        %get3A_206 = tpu.vector_load %arg9[%get3A_205] {strides = array<i32>} : memref<16384xf32, #tpu.memory_space<vmem>>, vector<16xf32>,
        %mul3A_207 = arith.mulf %get3A_206, %bitcast_convert_type3A_201 : vector<16xf32>
        %add3A_208 = arith.addf %add3A_185, %mul3A_207 : vector<16xf32>
        %mul3A_209 = arith.mulf %get3A_206, %bitcast_convert_type3A_204 : vector<16xf32>
        %add3A_210 = arith.addf %add3A_187, %mul3A_209 : vector<16xf32>
        %mul3A_211 = arith.constant 8 : i32
        %mul3A_212 = arith.muli %scan3A_53, %mul3A_211 : i32
        %add3A_213 = arith.constant 7 : i32
        %add3A_214 = arith.addi %mul3A_212, %add3A_213 : i32
        %mul3A_215 = arith.constant 16 : i32
        %mul3A_216 = arith.muli %add3A_214, %mul3A_215 : i32
        %add3A_217 = arith.constant 8192 : i32
        %add3A_218 = arith.addi %add3A_217, %mul3A_216 : i32
        %get3A_219 = arith.index_cast %add3A_218 : i32 to index
        %get3A_220 = tpu.vector_load %arg10[%get3A_219] {strides = array<i32>} : memref<16384xi32, #tpu.memory_space<vmem>>, vector<16xi32>,
        %shift_left3A_221 = arith.constant 16 : i32
        %shift_left3A_222 = vector.broadcast %shift_left3A_221 : i32 to vector<16xi32>
        %shift_left3A_223 = arith.shli %get3A_220, %shift_left3A_222 : vector<16xi32>
        %bitcast_convert_type3A_224 = tpu.bitcast %shift_left3A_223 : vector<16xi32> -> vector<16xf32>
        %and3A_225 = vector.broadcast %scan3A_31 : i32 to vector<16xi32>
        %and3A_226 = arith.andi %get3A_220, %and3A_225 : vector<16xi32>
        %bitcast_convert_type3A_227 = tpu.bitcast %and3A_226 : vector<16xi32> -> vector<16xf32>
        %get3A_228 = arith.index_cast %add3A_218 : i32 to index
        %get3A_229 = tpu.vector_load %arg9[%get3A_228] {strides = array<i32>} : memref<16384xf32, #tpu.memory_space<vmem>>, vector<16xf32>,
        %mul3A_230 = arith.mulf %get3A_229, %bitcast_convert_type3A_224 : vector<16xf32>
        %add3A_231 = arith.addf %add3A_208, %mul3A_230 : vector<16xf32>
        %mul3A_232 = arith.mulf %get3A_229, %bitcast_convert_type3A_227 : vector<16xf32>
        %add3A_233 = arith.addf %add3A_210, %mul3A_232 : vector<16xf32>
        %mul3A_234 = arith.constant 16 : i32
        %mul3A_235 = arith.muli %scan3A_53, %mul3A_234 : i32
        %swap3A = arith.index_cast %mul3A_235 : i32 to index
        %swap3A_236 = tpu.vector_load %arg11[%swap3A] {strides = array<i32>} : memref<1024xf32, #tpu.memory_space<vmem>>, vector<16xf32>,
        tpu.vector_store %arg11[%swap3A], %add3A_231 {strides = array<i32>} : memref<1024xf32, #tpu.memory_space<vmem>>, vector<16xf32>,
        %mul3A_237 = arith.constant 16 : i32
        %mul3A_238 = arith.muli %scan3A_53, %mul3A_237 : i32
        %swap3A_239 = arith.index_cast %mul3A_238 : i32 to index
        %swap3A_240 = tpu.vector_load %arg12[%swap3A_239] {strides = array<i32>} : memref<1024xf32, #tpu.memory_space<vmem>>, vector<16xf32>,
        tpu.vector_store %arg12[%swap3A_239], %add3A_233 {strides = array<i32>} : memref<1024xf32, #tpu.memory_space<vmem>>, vector<16xf32>,
        %scan3A_241 = arith.constant 0 : i32
        %scan3A_242 = arith.constant 1 : i32
        %scan3A_243 = arith.addi %scan3A_53, %scan3A_242 : i32
        %mul3A_244 = arith.constant 8 : i32
        %mul3A_245 = arith.muli %scan3A_243, %mul3A_244 : i32
        %add3A_246 = arith.constant 0 : i32
        %add3A_247 = arith.addi %mul3A_245, %add3A_246 : i32
        %mul3A_248 = arith.constant 16 : i32
        %mul3A_249 = arith.muli %add3A_247, %mul3A_248 : i32
        %add3A_250 = arith.constant 8192 : i32
        %add3A_251 = arith.addi %add3A_250, %mul3A_249 : i32
        %get3A_252 = arith.index_cast %add3A_251 : i32 to index
        %get3A_253 = tpu.vector_load %arg10[%get3A_252] {strides = array<i32>} : memref<16384xi32, #tpu.memory_space<vmem>>, vector<16xi32>,
        %shift_left3A_254 = arith.constant 16 : i32
        %shift_left3A_255 = vector.broadcast %shift_left3A_254 : i32 to vector<16xi32>
        %shift_left3A_256 = arith.shli %get3A_253, %shift_left3A_255 : vector<16xi32>
        %bitcast_convert_type3A_257 = tpu.bitcast %shift_left3A_256 : vector<16xi32> -> vector<16xf32>
        %and3A_258 = vector.broadcast %scan3A_31 : i32 to vector<16xi32>
        %and3A_259 = arith.andi %get3A_253, %and3A_258 : vector<16xi32>
        %bitcast_convert_type3A_260 = tpu.bitcast %and3A_259 : vector<16xi32> -> vector<16xf32>
        %get3A_261 = arith.index_cast %add3A_251 : i32 to index
        %get3A_262 = tpu.vector_load %arg9[%get3A_261] {strides = array<i32>} : memref<16384xf32, #tpu.memory_space<vmem>>, vector<16xf32>,
        %mul3A_263 = arith.mulf %get3A_262, %bitcast_convert_type3A_257 : vector<16xf32>
        %mul3A_264 = arith.mulf %get3A_262, %bitcast_convert_type3A_260 : vector<16xf32>
        %mul3A_265 = arith.constant 8 : i32
        %mul3A_266 = arith.muli %scan3A_243, %mul3A_265 : i32
        %add3A_267 = arith.constant 1 : i32
        %add3A_268 = arith.addi %mul3A_266, %add3A_267 : i32
        %mul3A_269 = arith.constant 16 : i32
        %mul3A_270 = arith.muli %add3A_268, %mul3A_269 : i32
        %add3A_271 = arith.constant 8192 : i32
        %add3A_272 = arith.addi %add3A_271, %mul3A_270 : i32
        %get3A_273 = arith.index_cast %add3A_272 : i32 to index
        %get3A_274 = tpu.vector_load %arg10[%get3A_273] {strides = array<i32>} : memref<16384xi32, #tpu.memory_space<vmem>>, vector<16xi32>,
        %shift_left3A_275 = arith.constant 16 : i32
        %shift_left3A_276 = vector.broadcast %shift_left3A_275 : i32 to vector<16xi32>
        %shift_left3A_277 = arith.shli %get3A_274, %shift_left3A_276 : vector<16xi32>
        %bitcast_convert_type3A_278 = tpu.bitcast %shift_left3A_277 : vector<16xi32> -> vector<16xf32>
        %and3A_279 = vector.broadcast %scan3A_31 : i32 to vector<16xi32>
        %and3A_280 = arith.andi %get3A_274, %and3A_279 : vector<16xi32>
        %bitcast_convert_type3A_281 = tpu.bitcast %and3A_280 : vector<16xi32> -> vector<16xf32>
        %get3A_282 = arith.index_cast %add3A_272 : i32 to index
        %get3A_283 = tpu.vector_load %arg9[%get3A_282] {strides = array<i32>} : memref<16384xf32, #tpu.memory_space<vmem>>, vector<16xf32>,
        %mul3A_284 = arith.mulf %get3A_283, %bitcast_convert_type3A_278 : vector<16xf32>
        %add3A_285 = arith.addf %mul3A_263, %mul3A_284 : vector<16xf32>
        %mul3A_286 = arith.mulf %get3A_283, %bitcast_convert_type3A_281 : vector<16xf32>
        %add3A_287 = arith.addf %mul3A_264, %mul3A_286 : vector<16xf32>
        %mul3A_288 = arith.constant 8 : i32
        %mul3A_289 = arith.muli %scan3A_243, %mul3A_288 : i32
        %add3A_290 = arith.constant 2 : i32
        %add3A_291 = arith.addi %mul3A_289, %add3A_290 : i32
        %mul3A_292 = arith.constant 16 : i32
        %mul3A_293 = arith.muli %add3A_291, %mul3A_292 : i32
        %add3A_294 = arith.constant 8192 : i32
        %add3A_295 = arith.addi %add3A_294, %mul3A_293 : i32
        %get3A_296 = arith.index_cast %add3A_295 : i32 to index
        %get3A_297 = tpu.vector_load %arg10[%get3A_296] {strides = array<i32>} : memref<16384xi32, #tpu.memory_space<vmem>>, vector<16xi32>,
        %shift_left3A_298 = arith.constant 16 : i32
        %shift_left3A_299 = vector.broadcast %shift_left3A_298 : i32 to vector<16xi32>
        %shift_left3A_300 = arith.shli %get3A_297, %shift_left3A_299 : vector<16xi32>
        %bitcast_convert_type3A_301 = tpu.bitcast %shift_left3A_300 : vector<16xi32> -> vector<16xf32>
        %and3A_302 = vector.broadcast %scan3A_31 : i32 to vector<16xi32>
        %and3A_303 = arith.andi %get3A_297, %and3A_302 : vector<16xi32>
        %bitcast_convert_type3A_304 = tpu.bitcast %and3A_303 : vector<16xi32> -> vector<16xf32>
        %get3A_305 = arith.index_cast %add3A_295 : i32 to index
        %get3A_306 = tpu.vector_load %arg9[%get3A_305] {strides = array<i32>} : memref<16384xf32, #tpu.memory_space<vmem>>, vector<16xf32>,
        %mul3A_307 = arith.mulf %get3A_306, %bitcast_convert_type3A_301 : vector<16xf32>
        %add3A_308 = arith.addf %add3A_285, %mul3A_307 : vector<16xf32>
        %mul3A_309 = arith.mulf %get3A_306, %bitcast_convert_type3A_304 : vector<16xf32>
        %add3A_310 = arith.addf %add3A_287, %mul3A_309 : vector<16xf32>
        %mul3A_311 = arith.constant 8 : i32
        %mul3A_312 = arith.muli %scan3A_243, %mul3A_311 : i32
        %add3A_313 = arith.constant 3 : i32
        %add3A_314 = arith.addi %mul3A_312, %add3A_313 : i32
        %mul3A_315 = arith.constant 16 : i32
        %mul3A_316 = arith.muli %add3A_314, %mul3A_315 : i32
        %add3A_317 = arith.constant 8192 : i32
        %add3A_318 = arith.addi %add3A_317, %mul3A_316 : i32
        %get3A_319 = arith.index_cast %add3A_318 : i32 to index
        %get3A_320 = tpu.vector_load %arg10[%get3A_319] {strides = array<i32>} : memref<16384xi32, #tpu.memory_space<vmem>>, vector<16xi32>,
        %shift_left3A_321 = arith.constant 16 : i32
        %shift_left3A_322 = vector.broadcast %shift_left3A_321 : i32 to vector<16xi32>
        %shift_left3A_323 = arith.shli %get3A_320, %shift_left3A_322 : vector<16xi32>
        %bitcast_convert_type3A_324 = tpu.bitcast %shift_left3A_323 : vector<16xi32> -> vector<16xf32>
        %and3A_325 = vector.broadcast %scan3A_31 : i32 to vector<16xi32>
        %and3A_326 = arith.andi %get3A_320, %and3A_325 : vector<16xi32>
        %bitcast_convert_type3A_327 = tpu.bitcast %and3A_326 : vector<16xi32> -> vector<16xf32>
        %get3A_328 = arith.index_cast %add3A_318 : i32 to index
        %get3A_329 = tpu.vector_load %arg9[%get3A_328] {strides = array<i32>} : memref<16384xf32, #tpu.memory_space<vmem>>, vector<16xf32>,
        %mul3A_330 = arith.mulf %get3A_329, %bitcast_convert_type3A_324 : vector<16xf32>
        %add3A_331 = arith.addf %add3A_308, %mul3A_330 : vector<16xf32>
        %mul3A_332 = arith.mulf %get3A_329, %bitcast_convert_type3A_327 : vector<16xf32>
        %add3A_333 = arith.addf %add3A_310, %mul3A_332 : vector<16xf32>
        %mul3A_334 = arith.constant 8 : i32
        %mul3A_335 = arith.muli %scan3A_243, %mul3A_334 : i32
        %add3A_336 = arith.constant 4 : i32
        %add3A_337 = arith.addi %mul3A_335, %add3A_336 : i32
        %mul3A_338 = arith.constant 16 : i32
        %mul3A_339 = arith.muli %add3A_337, %mul3A_338 : i32
        %add3A_340 = arith.constant 8192 : i32
        %add3A_341 = arith.addi %add3A_340, %mul3A_339 : i32
        %get3A_342 = arith.index_cast %add3A_341 : i32 to index
        %get3A_343 = tpu.vector_load %arg10[%get3A_342] {strides = array<i32>} : memref<16384xi32, #tpu.memory_space<vmem>>, vector<16xi32>,
        %shift_left3A_344 = arith.constant 16 : i32
        %shift_left3A_345 = vector.broadcast %shift_left3A_344 : i32 to vector<16xi32>
        %shift_left3A_346 = arith.shli %get3A_343, %shift_left3A_345 : vector<16xi32>
        %bitcast_convert_type3A_347 = tpu.bitcast %shift_left3A_346 : vector<16xi32> -> vector<16xf32>
        %and3A_348 = vector.broadcast %scan3A_31 : i32 to vector<16xi32>
        %and3A_349 = arith.andi %get3A_343, %and3A_348 : vector<16xi32>
        %bitcast_convert_type3A_350 = tpu.bitcast %and3A_349 : vector<16xi32> -> vector<16xf32>
        %get3A_351 = arith.index_cast %add3A_341 : i32 to index
        %get3A_352 = tpu.vector_load %arg9[%get3A_351] {strides = array<i32>} : memref<16384xf32, #tpu.memory_space<vmem>>, vector<16xf32>,
        %mul3A_353 = arith.mulf %get3A_352, %bitcast_convert_type3A_347 : vector<16xf32>
        %add3A_354 = arith.addf %add3A_331, %mul3A_353 : vector<16xf32>
        %mul3A_355 = arith.mulf %get3A_352, %bitcast_convert_type3A_350 : vector<16xf32>
        %add3A_356 = arith.addf %add3A_333, %mul3A_355 : vector<16xf32>
        %mul3A_357 = arith.constant 8 : i32
        %mul3A_358 = arith.muli %scan3A_243, %mul3A_357 : i32
        %add3A_359 = arith.constant 5 : i32
        %add3A_360 = arith.addi %mul3A_358, %add3A_359 : i32
        %mul3A_361 = arith.constant 16 : i32
        %mul3A_362 = arith.muli %add3A_360, %mul3A_361 : i32
        %add3A_363 = arith.constant 8192 : i32
        %add3A_364 = arith.addi %add3A_363, %mul3A_362 : i32
        %get3A_365 = arith.index_cast %add3A_364 : i32 to index
        %get3A_366 = tpu.vector_load %arg10[%get3A_365] {strides = array<i32>} : memref<16384xi32, #tpu.memory_space<vmem>>, vector<16xi32>,
        %shift_left3A_367 = arith.constant 16 : i32
        %shift_left3A_368 = vector.broadcast %shift_left3A_367 : i32 to vector<16xi32>
        %shift_left3A_369 = arith.shli %get3A_366, %shift_left3A_368 : vector<16xi32>
        %bitcast_convert_type3A_370 = tpu.bitcast %shift_left3A_369 : vector<16xi32> -> vector<16xf32>
        %and3A_371 = vector.broadcast %scan3A_31 : i32 to vector<16xi32>
        %and3A_372 = arith.andi %get3A_366, %and3A_371 : vector<16xi32>
        %bitcast_convert_type3A_373 = tpu.bitcast %and3A_372 : vector<16xi32> -> vector<16xf32>
        %get3A_374 = arith.index_cast %add3A_364 : i32 to index
        %get3A_375 = tpu.vector_load %arg9[%get3A_374] {strides = array<i32>} : memref<16384xf32, #tpu.memory_space<vmem>>, vector<16xf32>,
        %mul3A_376 = arith.mulf %get3A_375, %bitcast_convert_type3A_370 : vector<16xf32>
        %add3A_377 = arith.addf %add3A_354, %mul3A_376 : vector<16xf32>
        %mul3A_378 = arith.mulf %get3A_375, %bitcast_convert_type3A_373 : vector<16xf32>
        %add3A_379 = arith.addf %add3A_356, %mul3A_378 : vector<16xf32>
        %mul3A_380 = arith.constant 8 : i32
        %mul3A_381 = arith.muli %scan3A_243, %mul3A_380 : i32
        %add3A_382 = arith.constant 6 : i32
        %add3A_383 = arith.addi %mul3A_381, %add3A_382 : i32
        %mul3A_384 = arith.constant 16 : i32
        %mul3A_385 = arith.muli %add3A_383, %mul3A_384 : i32
        %add3A_386 = arith.constant 8192 : i32
        %add3A_387 = arith.addi %add3A_386, %mul3A_385 : i32
        %get3A_388 = arith.index_cast %add3A_387 : i32 to index
        %get3A_389 = tpu.vector_load %arg10[%get3A_388] {strides = array<i32>} : memref<16384xi32, #tpu.memory_space<vmem>>, vector<16xi32>,
        %shift_left3A_390 = arith.constant 16 : i32
        %shift_left3A_391 = vector.broadcast %shift_left3A_390 : i32 to vector<16xi32>
        %shift_left3A_392 = arith.shli %get3A_389, %shift_left3A_391 : vector<16xi32>
        %bitcast_convert_type3A_393 = tpu.bitcast %shift_left3A_392 : vector<16xi32> -> vector<16xf32>
        %and3A_394 = vector.broadcast %scan3A_31 : i32 to vector<16xi32>
        %and3A_395 = arith.andi %get3A_389, %and3A_394 : vector<16xi32>
        %bitcast_convert_type3A_396 = tpu.bitcast %and3A_395 : vector<16xi32> -> vector<16xf32>
        %get3A_397 = arith.index_cast %add3A_387 : i32 to index
        %get3A_398 = tpu.vector_load %arg9[%get3A_397] {strides = array<i32>} : memref<16384xf32, #tpu.memory_space<vmem>>, vector<16xf32>,
        %mul3A_399 = arith.mulf %get3A_398, %bitcast_convert_type3A_393 : vector<16xf32>
        %add3A_400 = arith.addf %add3A_377, %mul3A_399 : vector<16xf32>
        %mul3A_401 = arith.mulf %get3A_398, %bitcast_convert_type3A_396 : vector<16xf32>
        %add3A_402 = arith.addf %add3A_379, %mul3A_401 : vector<16xf32>
        %mul3A_403 = arith.constant 8 : i32
        %mul3A_404 = arith.muli %scan3A_243, %mul3A_403 : i32
        %add3A_405 = arith.constant 7 : i32
        %add3A_406 = arith.addi %mul3A_404, %add3A_405 : i32
        %mul3A_407 = arith.constant 16 : i32
        %mul3A_408 = arith.muli %add3A_406, %mul3A_407 : i32
        %add3A_409 = arith.constant 8192 : i32
        %add3A_410 = arith.addi %add3A_409, %mul3A_408 : i32
        %get3A_411 = arith.index_cast %add3A_410 : i32 to index
        %get3A_412 = tpu.vector_load %arg10[%get3A_411] {strides = array<i32>} : memref<16384xi32, #tpu.memory_space<vmem>>, vector<16xi32>,
        %shift_left3A_413 = arith.constant 16 : i32
        %shift_left3A_414 = vector.broadcast %shift_left3A_413 : i32 to vector<16xi32>
        %shift_left3A_415 = arith.shli %get3A_412, %shift_left3A_414 : vector<16xi32>
        %bitcast_convert_type3A_416 = tpu.bitcast %shift_left3A_415 : vector<16xi32> -> vector<16xf32>
        %and3A_417 = vector.broadcast %scan3A_31 : i32 to vector<16xi32>
        %and3A_418 = arith.andi %get3A_412, %and3A_417 : vector<16xi32>
        %bitcast_convert_type3A_419 = tpu.bitcast %and3A_418 : vector<16xi32> -> vector<16xf32>
        %get3A_420 = arith.index_cast %add3A_410 : i32 to index
        %get3A_421 = tpu.vector_load %arg9[%get3A_420] {strides = array<i32>} : memref<16384xf32, #tpu.memory_space<vmem>>, vector<16xf32>,
        %mul3A_422 = arith.mulf %get3A_421, %bitcast_convert_type3A_416 : vector<16xf32>
        %add3A_423 = arith.addf %add3A_400, %mul3A_422 : vector<16xf32>
        %mul3A_424 = arith.mulf %get3A_421, %bitcast_convert_type3A_419 : vector<16xf32>
        %add3A_425 = arith.addf %add3A_402, %mul3A_424 : vector<16xf32>
        %mul3A_426 = arith.constant 16 : i32
        %mul3A_427 = arith.muli %scan3A_243, %mul3A_426 : i32
        %swap3A_428 = arith.index_cast %mul3A_427 : i32 to index
        %swap3A_429 = tpu.vector_load %arg11[%swap3A_428] {strides = array<i32>} : memref<1024xf32, #tpu.memory_space<vmem>>, vector<16xf32>,
        tpu.vector_store %arg11[%swap3A_428], %add3A_423 {strides = array<i32>} : memref<1024xf32, #tpu.memory_space<vmem>>, vector<16xf32>,
        %mul3A_430 = arith.constant 16 : i32
        %mul3A_431 = arith.muli %scan3A_243, %mul3A_430 : i32
        %swap3A_432 = arith.index_cast %mul3A_431 : i32 to index
        %swap3A_433 = tpu.vector_load %arg12[%swap3A_432] {strides = array<i32>} : memref<1024xf32, #tpu.memory_space<vmem>>, vector<16xf32>,
        tpu.vector_store %arg12[%swap3A_432], %add3A_425 {strides = array<i32>} : memref<1024xf32, #tpu.memory_space<vmem>>, vector<16xf32>,
        %scan3A_434 = arith.constant 0 : i32
        scf.yield %scan3A_434 : i32
      }
      %scan3A_38 = arith.constant 64 : i32
      %add3A_39 = arith.constant 15360 : i32
      %add3A_40 = arith.addi %mul3A_2, %add3A_39 : i32
      %mul3A_41 = arith.constant 2 : i32
      %mul3A_42 = arith.muli %mul3A_41, %scan3A_9 : i32
      %mul3A_43 = arith.constant 524288 : i32
      %mul3A_44 = arith.muli %mul3A_42, %mul3A_43 : i32
      %add3A_45 = arith.addi %mul3A_44, %add3A_40 : i32
      "tpu.region"() ({
        %run_scoped3A = tpu.sem_alloc : memref<!tpu.dma_semaphore, #tpu.memory_space<semaphore_mem>>
        %dma_start3A = tpu.memref_slice %arg5[%add3A_45] : memref<16777216xf32, #tpu.memory_space<hbm>> -> memref<1024xf32, #tpu.memory_space<hbm>>
        %dma_start3A_53 = tpu.memref_slice %arg5[%add3A_45] : memref<16777216xf32, #tpu.memory_space<hbm>> -> memref<1024xf32, #tpu.memory_space<hbm>>
        tpu.enqueue_dma source(%arg11 : memref<1024xf32, #tpu.memory_space<vmem>>) target(%dma_start3A_53 : memref<1024xf32, #tpu.memory_space<hbm>>) target_semaphore(%run_scoped3A : memref<!tpu.dma_semaphore, #tpu.memory_space<semaphore_mem>>)
        %dma_wait3A_54 = tpu.memref_slice %arg5[%add3A_45] : memref<16777216xf32, #tpu.memory_space<hbm>> -> memref<1024xf32, #tpu.memory_space<hbm>>
        %dma_wait3A_55 = tpu.memref_slice %arg5[%add3A_45] : memref<16777216xf32, #tpu.memory_space<hbm>> -> memref<1024xf32, #tpu.memory_space<hbm>>
        tpu.wait_dma2 semaphore(%run_scoped3A : memref<!tpu.dma_semaphore, #tpu.memory_space<semaphore_mem>>) src(%arg11 : memref<1024xf32, #tpu.memory_space<vmem>>) dst(%dma_wait3A_55 : memref<1024xf32, #tpu.memory_space<hbm>>)
        tpu.yield
      }) : () -> ()
      %mul3A_46 = arith.constant 2 : i32
      %mul3A_47 = arith.muli %mul3A_46, %scan3A_9 : i32
      %add3A_48 = arith.constant 1 : i32
      %add3A_49 = arith.addi %mul3A_47, %add3A_48 : i32
      %mul3A_50 = arith.constant 524288 : i32
      %mul3A_51 = arith.muli %add3A_49, %mul3A_50 : i32
      %add3A_52 = arith.addi %mul3A_51, %add3A_40 : i32
      "tpu.region"() ({
        %run_scoped3A = tpu.sem_alloc : memref<!tpu.dma_semaphore, #tpu.memory_space<semaphore_mem>>
        %dma_start3A = tpu.memref_slice %arg5[%add3A_52] : memref<16777216xf32, #tpu.memory_space<hbm>> -> memref<1024xf32, #tpu.memory_space<hbm>>
        %dma_start3A_53 = tpu.memref_slice %arg5[%add3A_52] : memref<16777216xf32, #tpu.memory_space<hbm>> -> memref<1024xf32, #tpu.memory_space<hbm>>
        tpu.enqueue_dma source(%arg12 : memref<1024xf32, #tpu.memory_space<vmem>>) target(%dma_start3A_53 : memref<1024xf32, #tpu.memory_space<hbm>>) target_semaphore(%run_scoped3A : memref<!tpu.dma_semaphore, #tpu.memory_space<semaphore_mem>>)
        %dma_wait3A_54 = tpu.memref_slice %arg5[%add3A_52] : memref<16777216xf32, #tpu.memory_space<hbm>> -> memref<1024xf32, #tpu.memory_space<hbm>>
        %dma_wait3A_55 = tpu.memref_slice %arg5[%add3A_52] : memref<16777216xf32, #tpu.memory_space<hbm>> -> memref<1024xf32, #tpu.memory_space<hbm>>
        tpu.wait_dma2 semaphore(%run_scoped3A : memref<!tpu.dma_semaphore, #tpu.memory_space<semaphore_mem>>) src(%arg12 : memref<1024xf32, #tpu.memory_space<vmem>>) dst(%dma_wait3A_55 : memref<1024xf32, #tpu.memory_space<hbm>>)
        tpu.yield
      }) : () -> ()
    }
    %scan3A_8 = arith.constant 16 : i32
    return
  }
}

</mosaic_0001>

<sc_bundles>
// kernel: kernel.3.cloned.1.call-start
scs
__scs_entry_jumppad:
0x0: {  	(pc) =	sbr.rel $0x88, $3  }
0x1: {  	(tag) =	ssettag $0x0;
	lr =	simm.s32 $0x1  }
0x2: {  	[smem:$0x3F9F] =	sst lr;
	_ =	strace $0xD0000000  }
0x3: {  	_ = 	snop  }
0x4: {  	_ = 	snop  }
0x5: {  	_ = 	snop  }
0x6: {  	_ = 	snop  }
0x7: {  	_ = 	snop  }
__scs_overlays_trampoline_lowered:
0x8: {  	[smem:$0x3FAE] =	sst s0  }
0x9: {  	[smem:$0x3FAF] =	sst s1  }
0xa: {  	[smem:$0x3FB0] =	sst s2  }
0xb: {  	[smem:$0x3FB1] =	sst s3  }
0xc: {  	[smem:$0x3FB2] =	sst s4  }
0xd: {  	[smem:$0x3FB3] =	sst s5  }
0xe: {  	[smem:$0x3FB4] =	sst s6  }
0xf: {  	[smem:$0x3FB5] =	sst s7  }
0x10: {  	[smem:$0x3FB6] =	sst s8  }
0x11: {  	[smem:$0x3FB7] =	sst s9;
	s0 =	simm.s32 @!p0 $0x0  }
0x12: {  	s1 =	sld [smem:$0x3F9D];
	s0 =	simm.s32 @p0 $0x1  }
0x13: {  	[smem:$0x3FB8] =	sst s0;
	s0 =	simm.s32 @!p1 $0x0  }
0x14: {  	s2 =	sld [smem:$0x3F9C];
	s0 =	simm.s32 @p1 $0x1  }
0x15: {  	[smem:$0x3FB9] =	sst s0;
	s0 =	simm.s32 @!p2 $0x0  }
0x16: {  	s3 =	sld [smem:$0x3FDB];
	s0 =	simm.s32 @p2 $0x1  }
0x17: {  	s4 =	simm.s32 $0x1BF5;
	[smem:$0x3FBB] =	sst s0  }
0x18: {  	s0 =	sld [smem:$0x3F9E];
	_ =	swait.ge [sflag:s4], $0x0  }
0x19: {  	s7 =	sld [smem:$0x3F9F]  }
0x1a: {  	s8 =	sadd.s32 $0xFFFFE003, lr  }
0x1b: {  	s9 =	sadd.s32 $0xFFFFFEF7, lr;
	s5 =	simm.s32 $0xFFFFFFFF;
	p2 =	slt.u32 s8, $0xFFFFF086  }
0x1c: {  	p1 =	slt.u32 s9, $0xF7A;
	s5 =	simm.s32 @!p2 $0x0  }
0x1d: {  	s5 =	simm.s32 @p1 $0x1;
	p0 =	seq.s32 s7, s2  }
0x1e: {  	s7 =	smul.u32 @!p0 $0xF7A, s2;
	p2 =	seq.s32 @!p0 s5, $0x0  }
0x1f: {  	s9 =	smul.u32 $0xF7A, s1;
	s8 =	simm.s32 @!p0 $0x1BF5;
	p2 =	por !p2, p0  }
0x20: {  	[sflag:s8] =	ssyncset.s32 @!p0 $0xFFFFF086;
	s6 =	sadd.s32 @!p0 s3, s7;
	s7 =	simm.s32 @!p0 $0x108  }
0x21: {  	s3 =	sadd.s32 s3, s9;
	s6 =	sadd.s32 @!p0 $0x88, s6;
	s7 =	simm.s32 @p2 $0x1082  }
0x22: {  	[simem:s7], [sflag:s8] =	dma.local @!p0 [hbm:s6], $0xF7A  }
0x23: {  	s9 =	sor.u32 $0xD0000000, s2;
	s6 =	simm.s32 $0x108;
	_ =	swait.ge @!p0 [sflag:s8], $0x0  }
0x24: {  	s3 =	sadd.s32 $0x88, s3;
	s6 =	simm.s32 @!p1 $0x1082;
	[sflag:s4] =	ssyncset.s32 $0xFFFFF086  }
0x25: {  	[simem:s6], [sflag:s4] =	dma.local [hbm:s3], $0xF7A  }
0x26: {  	[smem:$0x3F9F] =	sst s1;
	(tag) =	ssettag s2;
	_ =	strace s9  }
0x27: {  	s1 =	sld [smem:$0x3FAF]  }
0x28: {  	s2 =	sld [smem:$0x3FB0]  }
0x29: {  	s4 =	sld [smem:$0x3FB2]  }
0x2a: {  	p0 =	seq.s32 s5, $0x0;
	s5 =	sld [smem:$0x3FB3]  }
0x2b: {  	s6 =	sld [smem:$0x3FB4]  }
0x2c: {  	s7 =	sld [smem:$0x3FB5]  }
0x2d: {  	s3 =	simm.s32 $0x108;
	s8 =	sld [smem:$0x3FB6]  }
0x2e: {  	s3 =	simm.s32 @!p0 $0x1082;
	s9 =	sld [smem:$0x3FB7]  }
0x2f: {  	lr =	sadd.s32 s0, s3;
	s0 =	sld [smem:$0x3FAE]  }
0x30: {  	s3 =	sld [smem:$0x3FB1]  }
0x31: {  	[smem:$0x3FBA] =	sst s10  }
0x32: {  	s10 =	sld [smem:$0x3FB8];
	_ =	sdelay $0x3  }
0x33: {  	p0 =	seq.s32 s10, $0x1;
	s10 =	sld [smem:$0x3FBA];
	_ =	sdelay $0x3  }
0x34: {  	[smem:$0x3FBA] =	sst s10  }
0x35: {  	s10 =	sld [smem:$0x3FB9];
	_ =	sdelay $0x3  }
0x36: {  	p1 =	seq.s32 s10, $0x1;
	s10 =	sld [smem:$0x3FBA];
	_ =	sdelay $0x3  }
0x37: {  	[smem:$0x3FBA] =	sst s10  }
0x38: {  	s10 =	sld [smem:$0x3FBB]  }
0x39: {  	_ = 	snop;
	(pc) =	sbr.ind lr, $3  }
0x3a: {  	_ = 	snop  }
0x3b: {  	_ = 	snop  }
0x3c: {  	p2 =	seq.s32 s10, $0x1;
	s10 =	sld [smem:$0x3FBA]  }
0x3d: {  	_ =	shalt  }
0x3e: {  	_ =	shalt  }
0x3f: {  	_ =	shalt  }
0x40: {  	_ =	shalt  }
0x41: {  	_ =	shalt  }
0x42: {  	_ =	shalt  }
0x43: {  	_ =	shalt  }
0x44: {  	_ =	shalt  }
0x45: {  	_ =	shalt  }
0x46: {  	_ =	shalt  }
0x47: {  	_ =	shalt  }
0x48: {  	_ =	shalt  }
0x49: {  	_ =	shalt  }
0x4a: {  	_ =	shalt  }
0x4b: {  	_ =	shalt  }
0x4c: {  	_ =	shalt  }
0x4d: {  	_ =	shalt  }
0x4e: {  	_ =	shalt  }
0x4f: {  	_ =	shalt  }
0x50: {  	_ =	shalt  }
0x51: {  	_ =	shalt  }
0x52: {  	_ =	shalt  }
0x53: {  	_ =	shalt  }
0x54: {  	_ =	shalt  }
0x55: {  	_ =	shalt  }
0x56: {  	_ =	shalt  }
0x57: {  	_ =	shalt  }
0x58: {  	_ =	shalt  }
0x59: {  	_ =	shalt  }
0x5a: {  	_ =	shalt  }
0x5b: {  	_ =	shalt  }
0x5c: {  	_ =	shalt  }
0x5d: {  	_ =	shalt  }
0x5e: {  	_ =	shalt  }
0x5f: {  	_ =	shalt  }
0x60: {  	_ =	shalt  }
0x61: {  	_ =	shalt  }
0x62: {  	_ =	shalt  }
0x63: {  	_ =	shalt  }
0x64: {  	_ =	shalt  }
0x65: {  	_ =	shalt  }
0x66: {  	_ =	shalt  }
0x67: {  	_ =	shalt  }
0x68: {  	_ =	shalt  }
0x69: {  	_ =	shalt  }
0x6a: {  	_ =	shalt  }
0x6b: {  	_ =	shalt  }
0x6c: {  	_ =	shalt  }
0x6d: {  	_ =	shalt  }
0x6e: {  	_ =	shalt  }
0x6f: {  	_ =	shalt  }
0x70: {  	_ =	shalt  }
0x71: {  	_ =	shalt  }
0x72: {  	_ =	shalt  }
0x73: {  	_ =	shalt  }
0x74: {  	_ =	shalt  }
0x75: {  	_ =	shalt  }
0x76: {  	_ =	shalt  }
0x77: {  	_ =	shalt  }
0x78: {  	_ =	shalt  }
0x79: {  	_ =	shalt  }
0x7a: {  	_ =	shalt  }
0x7b: {  	_ =	shalt  }
0x7c: {  	_ =	shalt  }
0x7d: {  	_ =	shalt  }
0x7e: {  	_ =	shalt  }
0x7f: {  	_ =	shalt  }
0x80: {  	_ =	shalt  }
0x81: {  	_ =	shalt  }
0x82: {  	_ =	shalt  }
0x83: {  	_ =	shalt  }
0x84: {  	_ =	shalt  }
0x85: {  	_ =	shalt  }
0x86: {  	_ =	shalt  }
0x87: {  	_ =	shalt  }
.Lfunc_end0:
.L_simem_size_0:
called_computation_lowered:
.L_overlay_start_0:
0x88: {  	s2 =	sld [smem:$0x3FD9]  }
0x89: {  	s3 =	sld [smem:$0x3FFE];
	_ =	sdelay $0x1  }
0x8a: {  	s1 =	srdreg.scid  }
0x8b: {  	s0 =	sand.u32 $0x1, s1  }
0x8c: {  	s17 =	sshll.u32 s0, $0xA;
	s2 =	sadd.s32 s3, s2  }
0x8d: {  	s2 =	sadd.s32 s2, s17  }
0x8e: {  	[smem:$0x3FC6] =	sst s2  }
0x8f: {  	_ = 	snop  }
0x90: {  	s2 =	sld [smem:$0x3FC9]  }
0x91: {  	s18 =	sld [smem:$0x3FC8]  }
0x92: {  	s4 =	sld [smem:$0x3FD0];
	(tm) =	ssettm $0x1  }
0x93: {  	s5 =	sld [smem:$0x3FFB];
	_ =	sdelay $0x3  }
0x94: {  	_ =	strace s5  }
0x95: {  	s5 =	sld [smem:$0x3FFC];
	_ =	sdelay $0x3  }
0x96: {  	_ =	strace s5  }
0x97: {  	s5 =	sld [smem:$0x3FFD];
	_ =	sdelay $0x3  }
0x98: {  	_ =	strace s5  }
0x99: {  	_ =	strace $0x8FFFFFFF  }
0x9a: {  	s19 =	sld [smem:$0x3FDB];
	_ =	sdelay $0x1  }
0x9b: {  	s6 =	simm.s32 $_scs_section_size  }
0x9c: {  	s7 =	simm.s32 $_size__tile_overlayer_lowered;
	s8 =	simm.s32 $_tile_overlayer_lowered  }
0x9d: {  	s22 =	simm.s32 $0x1BFF;
	s21 =	sshll.u32 s8, $0x1;
	s5 =	sadd.s32 s6, s19  }
0x9e: {  	s9 =	simm.s32 $0x0;
	s20 =	sshll.u32 s7, $0x1;
	s7 =	sadd.s32 s21, s5  }
0x9f: {  	[timem:s9], [sflag:s22] =	dma.local [hbm:s7], s20  }
0xa0: {  	_ =	swait.ge [sflag:s22], s20  }
0xa1: {  	s6 =	ssub.s32 $0x0, s20;
	[sflag:s22] =	ssyncset.done $0x0  }
0xa2: {  	[sflag:s22] =	ssyncadd.s32 s6;
	_ =	sdelay $0x1  }
0xa3: {  	s23 =	simm.s32 $0x1B8B  }
0xa4: {  	_ =	swait.ge [sflag:s23], $0x1  }
0xa5: {  	[sflag:s23] =	ssyncset.done $0x0  }
0xa6: {  	s25 =	simm.s32 $0x1B8E;
	s24 =	sld [smem:$0x3FFE];
	[sflag:s23] =	ssyncadd.s32 $0xFFFFFFFF  }
0xa7: {  	s26 =	simm.s32 $execute0_lowered;
	[smem:$0x3FD2] =	sst s25  }
0xa8: {  	s7 =	sshll.u32 s26, $0x1;
	_ =	strace $0x80000046;
	[dreg:$0x1] =	wrdreg $0xFFFFFFFF  }
0xa9: {  	s28 =	simm.s32 $_size_execute0_lowered;
	s5 =	sadd.s32 s5, s7;
	[dreg:$0x0] =	wrdreg $0x0  }
0xaa: {  	s7 =	sshll.u32 s28, $0x1;
	[dreg:$0x2] =	wrdreg s5  }
0xab: {  	[dreg:$0x3] =	wrdreg s7  }
0xac: {  	[dreg:$0x4] =	wrdreg $0xC0  }
0xad: {  	_ =	task [dreg:s9], $0x5FFFF  }
0xae: {  	[dreg:$0x1] =	wrdreg $0xFFFFFFFF  }
0xaf: {  	[dreg:$0x0] =	wrdreg $0x60  }
0xb0: {  	[dreg:$0x2] =	wrdreg s2  }
0xb1: {  	[dreg:$0x3] =	wrdreg s18  }
0xb2: {  	[dreg:$0x4] =	wrdreg s4  }
0xb3: {  	[dreg:$0x5] =	wrdreg s24  }
0xb4: {  	[dreg:$0x6] =	wrdreg $0x148800  }
0xb5: {  	[dreg:$0x7] =	wrdreg $0x9  }
0xb6: {  	_ =	task.clear_ibuf [dreg:s9], $0x8FFFF;
	_ =	strace $0x90000046  }
0xb7: {  	s29 =	simm.s32 $0x9;
	_ =	strace $0x80000048  }
0xb8: {  	_ =	swait.ge [sflag:s29], $0x1  }
0xb9: {  	[sflag:s29] =	ssyncadd.s32 $0xFFFFFFFF  }
0xba: {  	_ =	strace $0x90000048  }
0xbb: {  	_ =	sfence  }
0xbc: {  	s30 =	sld [smem:$0x0];
	_ =	sdelay $0x2  }
0xbd: {  	s31 =	sshll.u32 s1, $0xD;
	s1 =	sshrl.u32 s1, $0x2  }
0xbe: {  	s3 =	sand.u32 $0x4000, s31;
	s1 =	sadd.s32 s1, s30  }
0xbf: {  	s0 =	sor.u32 s3, s0;
	s1 =	sshll.u32 s1, $0x11  }
0xc0: {  	s0 =	sor.u32 s1, s0  }
0xc1: {  	s0 =	sadd.s32 $0x8F2B, s0  }
0xc2: {  	[sflag:s0] =	ssyncadd.remote.s32 $0x1  }
0xc3: {  	_ =	sfence.sel $0xFFFF  }
0xc4: {  	[dreg:$0x0] =	wrdreg $0xFFFFFFFF;
	(pc) =	sbr.abs _section_cstart, $3  }
0xc5: {  	[dreg:$0x1] =	wrdreg $0xFFFFFFFF  }
0xc6: {  	_ =	task.clear_ibuf [dreg:s9], $0x2FFFF;
	_ =	strace $0x9FFFFFFF  }
0xc7: {  	(tm) =	ssettm $0x7FFFFFFF  }
tec
execute0_lowered:
.L_overlay_start_1:
0x0: {  	(tag) =	ssettag $0x1  }
0x1: {  	s1 =	rddreg [dreg:$0x0]  }
0x2: {  	s0 =	rddreg [dreg:$0x1]  }
0x3: {  	s2 =	rddreg [dreg:$0x3]  }
0x4: {  	s3 =	rddreg [dreg:$0x4]  }
0x5: {  	s4 =	simm.s32 $0x0;
	s5 =	srdreg.scid;
	s10 =	stileid.u32  }
0x6: {  	s14 =	simm.s32 $0x2000;
	s15 =	simm.s32 $0x2;
	s16 =	simm.s32 $0xE880  }
0x7: {  	s17 =	simm.s32 $0x12880;
	s18 =	simm.s32 $0x1;
	s20 =	simm.s32 $0xE480  }
0x8: {  	s21 =	simm.s32 $0x3;
	s26 =	simm.s32 $0x0;
	[smem:$0x7FF] =	sst s4  }
0x9: {  	s5 =	sand.u32 $0x1, s5;
	s9 =	sshll.u32 s10, $0xF;
	s28 =	sshll.u32 s10, $0xD  }
0xa: {  	s30 =	sadd.s32 $0x10400, s2;
	_ =	strace $0x80000047;
	s7 =	ssub.s32 $0x2, s5  }
0xb: {  	s5 =	sshll.u32 s5, $0xE;
	s0 =	sadd.s32 s0, s28;
	s8 =	sshrl.u32 s7, $0x1  }
0xc: {  	[dreg:$0x8] =	wrdreg s30;
	s8 =	ssub.s32 s7, s8;
	s7 =	sor.u32 s5, s9  }
0xd: {  	s6 =	sadd.s32 $0x400, s2;
	[dreg:$0x6] =	wrdreg s0;
	s29 =	sor.u32 $0x3C00, s7  }
0xe: {  	s2 =	simm.s32 $0x0;
	s31 =	smax.u32 s8, $0x1;
	[dreg:$0x7] =	wrdreg s29  }
0xf: {  	s9 =	sadd.s32 s9, s3;
	s10 =	sshll.u32 s7, $0x2;
	[dreg:$0x9] =	wrdreg s31  }
.LBB2_1:
0x10: {  	[dreg:$0xa] =	wrdreg s2  }
0x11: {  	s0 =	rddreg [dreg:$0x2]  }
0x12: {  	[tilespmem:s14], [sflag:$0x2] =	stream.linear.gather [hbm4b:s0+s4], $0x80, $0x38;
	[tilespmem:$0x1C880] =	vst v63  }
0x13: {  	_ =	swait.ge [sflag:s15], $0x80  }
0x14: {  	[sflag:s15] =	ssyncset.done $0x0  }
0x15: {  	[sflag:s15] =	ssyncadd.s32 $0xFFFFFF80  }
0x16: {  	s19 =	simm.s32 $0x0;
	v0 =	vld [tilespmem:$0x2000]  }
.LBB2_2:
0x17: {  	[bflag:$0x0] =	sbarrier.arrive $0xFFFF  }
0x18: {  	s0 =	sshll.u32 s19, $0x11;
	s2 =	rddreg [dreg:$0x6]  }
0x19: {  	s5 =	simm.s32 $0x0;
	s0 =	sadd.s32 s0, s2;
	s2 =	simm.s32 $0x0  }
.LBB2_3:
0x1a: {  	s8 =	sshll.u32 s5, $0xB  }
0x1b: {  	s8 =	sadd.s32 s8, s0  }
0x1c: {  	[tilespmem:s16], [sflag:$0x2] =	stream.linear.gather [hbm4b:s8+s2], $0x4000, $0x38;
	[tilespmem:$0x1C880] =	vst v63  }
0x1d: {  	_ =	swait.ge [sflag:s15], $0x4000  }
0x1e: {  	[sflag:s15] =	ssyncset.done $0x0  }
0x1f: {  	s8 =	simm.s32 $0xE900;
	[sflag:s15] =	ssyncadd.s32 $0xFFFFC000  }
0x20: {  	v1 =	vld [tilespmem:s8+$0xFFFFFF80]  }
0x21: {  	v2 =	vld [tilespmem:s8+$0x0];
	_ =	sdelay $0x4  }
0x22: {  	v1 =	vadd.s32 $0x8000, v1;
	v2 =	vadd.s32 $0x8000, v2  }
0x23: {  	v1 =	vshrl.u32 v1, $0x10;
	v2 =	vand.u32 $0xFFFF0000, v2  }
0x24: {  	s11 =	simm.s32 $0x0;
	v1 =	vor.u32 v1, v2  }
0x25: {  	[tilespmem:s11+$0x12880] =	vst v1  }
0x26: {  	v1 =	vld [tilespmem:s8+$0xFFFFFF90]  }
0x27: {  	v2 =	vld [tilespmem:s8+$0x10];
	_ =	sdelay $0x4  }
0x28: {  	v1 =	vadd.s32 $0x8000, v1;
	v2 =	vadd.s32 $0x8000, v2  }
0x29: {  	v1 =	vshrl.u32 v1, $0x10;
	v2 =	vand.u32 $0xFFFF0000, v2  }
0x2a: {  	v1 =	vor.u32 v1, v2  }
0x2b: {  	[tilespmem:s11+$0x12890] =	vst v1  }
0x2c: {  	v1 =	vld [tilespmem:s8+$0xFFFFFFA0]  }
0x2d: {  	v2 =	vld [tilespmem:s8+$0x20];
	_ =	sdelay $0x4  }
0x2e: {  	v1 =	vadd.s32 $0x8000, v1;
	v2 =	vadd.s32 $0x8000, v2  }
0x2f: {  	v1 =	vshrl.u32 v1, $0x10;
	v2 =	vand.u32 $0xFFFF0000, v2  }
0x30: {  	v1 =	vor.u32 v1, v2  }
0x31: {  	[tilespmem:s11+$0x128A0] =	vst v1  }
0x32: {  	v1 =	vld [tilespmem:s8+$0xFFFFFFB0]  }
0x33: {  	v2 =	vld [tilespmem:s8+$0x30];
	_ =	sdelay $0x4  }
0x34: {  	v1 =	vadd.s32 $0x8000, v1;
	v2 =	vadd.s32 $0x8000, v2  }
0x35: {  	v1 =	vshrl.u32 v1, $0x10;
	v2 =	vand.u32 $0xFFFF0000, v2  }
0x36: {  	v1 =	vor.u32 v1, v2  }
0x37: {  	[tilespmem:s11+$0x128B0] =	vst v1  }
0x38: {  	v1 =	vld [tilespmem:s8+$0xFFFFFFC0]  }
0x39: {  	v2 =	vld [tilespmem:s8+$0x40];
	_ =	sdelay $0x4  }
0x3a: {  	v1 =	vadd.s32 $0x8000, v1;
	v2 =	vadd.s32 $0x8000, v2  }
0x3b: {  	v1 =	vshrl.u32 v1, $0x10;
	v2 =	vand.u32 $0xFFFF0000, v2  }
0x3c: {  	v1 =	vor.u32 v1, v2  }
0x3d: {  	[tilespmem:s11+$0x128C0] =	vst v1  }
0x3e: {  	v1 =	vld [tilespmem:s8+$0xFFFFFFD0]  }
0x3f: {  	v2 =	vld [tilespmem:s8+$0x50];
	_ =	sdelay $0x4  }
0x40: {  	v1 =	vadd.s32 $0x8000, v1;
	v2 =	vadd.s32 $0x8000, v2  }
0x41: {  	v1 =	vshrl.u32 v1, $0x10;
	v2 =	vand.u32 $0xFFFF0000, v2  }
0x42: {  	v1 =	vor.u32 v1, v2  }
0x43: {  	[tilespmem:s11+$0x128D0] =	vst v1  }
0x44: {  	v1 =	vld [tilespmem:s8+$0xFFFFFFE0]  }
0x45: {  	v2 =	vld [tilespmem:s8+$0x60];
	_ =	sdelay $0x4  }
0x46: {  	v1 =	vadd.s32 $0x8000, v1;
	v2 =	vadd.s32 $0x8000, v2  }
0x47: {  	v1 =	vshrl.u32 v1, $0x10;
	v2 =	vand.u32 $0xFFFF0000, v2  }
0x48: {  	v1 =	vor.u32 v1, v2  }
0x49: {  	[tilespmem:s11+$0x128E0] =	vst v1  }
0x4a: {  	v1 =	vld [tilespmem:s8+$0xFFFFFFF0]  }
0x4b: {  	s12 =	simm.s32 $0x200;
	v2 =	vld [tilespmem:s8+$0x70]  }
.LBB2_4:
0x4c: {  	p0 =	sne.s32 s12, $0x7E00  }
0x4d: {  	s8 =	sadd.s32 $0x100, s8;
	s13 =	smov.u32 s12;
	s12 =	sadd.s32 $0x200, s12  }
0x4e: {  	_ =	sdelay $0x1  }
0x4f: {  	v1 =	vadd.s32 $0x8000, v1  }
0x50: {  	v1 =	vshrl.u32 v1, $0x10;
	v2 =	vadd.s32 $0x8000, v2  }
0x51: {  	v2 =	vand.u32 $0xFFFF0000, v2  }
0x52: {  	v1 =	vor.u32 v1, v2  }
0x53: {  	[tilespmem:s11+$0x128F0] =	vst v1  }
0x54: {  	v1 =	vld [tilespmem:s8+$0xFFFFFF80]  }
0x55: {  	v2 =	vld [tilespmem:s8+$0x0];
	_ =	sdelay $0x3  }
0x56: {  	v1 =	vadd.s32 $0x8000, v1  }
0x57: {  	v2 =	vadd.s32 $0x8000, v2  }
0x58: {  	v1 =	vshrl.u32 v1, $0x10;
	v2 =	vand.u32 $0xFFFF0000, v2  }
0x59: {  	s11 =	sshra.s32 s13, $0x2;
	v1 =	vor.u32 v1, v2  }
0x5a: {  	[tilespmem:s11+$0x12880] =	vst v1  }
0x5b: {  	v1 =	vld [tilespmem:s8+$0xFFFFFF90]  }
0x5c: {  	v2 =	vld [tilespmem:s8+$0x10];
	_ =	sdelay $0x3  }
0x5d: {  	v1 =	vadd.s32 $0x8000, v1  }
0x5e: {  	v1 =	vshrl.u32 v1, $0x10;
	v2 =	vadd.s32 $0x8000, v2  }
0x5f: {  	v2 =	vand.u32 $0xFFFF0000, v2  }
0x60: {  	v1 =	vor.u32 v1, v2  }
0x61: {  	[tilespmem:s11+$0x12890] =	vst v1  }
0x62: {  	v1 =	vld [tilespmem:s8+$0xFFFFFFA0]  }
0x63: {  	v2 =	vld [tilespmem:s8+$0x20];
	_ =	sdelay $0x3  }
0x64: {  	v1 =	vadd.s32 $0x8000, v1  }
0x65: {  	v1 =	vshrl.u32 v1, $0x10;
	v2 =	vadd.s32 $0x8000, v2  }
0x66: {  	v2 =	vand.u32 $0xFFFF0000, v2  }
0x67: {  	v1 =	vor.u32 v1, v2  }
0x68: {  	[tilespmem:s11+$0x128A0] =	vst v1  }
0x69: {  	v1 =	vld [tilespmem:s8+$0xFFFFFFB0]  }
0x6a: {  	v2 =	vld [tilespmem:s8+$0x30];
	_ =	sdelay $0x3  }
0x6b: {  	v1 =	vadd.s32 $0x8000, v1  }
0x6c: {  	v1 =	vshrl.u32 v1, $0x10;
	v2 =	vadd.s32 $0x8000, v2  }
0x6d: {  	v2 =	vand.u32 $0xFFFF0000, v2  }
0x6e: {  	v1 =	vor.u32 v1, v2  }
0x6f: {  	[tilespmem:s11+$0x128B0] =	vst v1  }
0x70: {  	v1 =	vld [tilespmem:s8+$0xFFFFFFC0]  }
0x71: {  	v2 =	vld [tilespmem:s8+$0x40];
	_ =	sdelay $0x3  }
0x72: {  	v1 =	vadd.s32 $0x8000, v1  }
0x73: {  	v1 =	vshrl.u32 v1, $0x10;
	v2 =	vadd.s32 $0x8000, v2  }
0x74: {  	v2 =	vand.u32 $0xFFFF0000, v2  }
0x75: {  	v1 =	vor.u32 v1, v2  }
0x76: {  	[tilespmem:s11+$0x128C0] =	vst v1  }
0x77: {  	v1 =	vld [tilespmem:s8+$0xFFFFFFD0]  }
0x78: {  	v2 =	vld [tilespmem:s8+$0x50];
	_ =	sdelay $0x3  }
0x79: {  	v1 =	vadd.s32 $0x8000, v1  }
0x7a: {  	v1 =	vshrl.u32 v1, $0x10;
	v2 =	vadd.s32 $0x8000, v2  }
0x7b: {  	v2 =	vand.u32 $0xFFFF0000, v2  }
0x7c: {  	v1 =	vor.u32 v1, v2  }
0x7d: {  	[tilespmem:s11+$0x128D0] =	vst v1  }
0x7e: {  	v1 =	vld [tilespmem:s8+$0xFFFFFFE0]  }
0x7f: {  	v2 =	vld [tilespmem:s8+$0x60];
	_ =	sdelay $0x3  }
0x80: {  	v1 =	vadd.s32 $0x8000, v1  }
0x81: {  	v1 =	vshrl.u32 v1, $0x10;
	v2 =	vadd.s32 $0x8000, v2  }
.Ltmp0:
0x82: {  	v2 =	vand.u32 $0xFFFF0000, v2;
	(pc) =	sbr.rel @p0 .LBB2_4-.Ltmp0, $4  }
0x83: {  	v1 =	vor.u32 v1, v2  }
0x84: {  	[tilespmem:s11+$0x128E0] =	vst v1  }
0x85: {  	v1 =	vld [tilespmem:s8+$0xFFFFFFF0]  }
0x86: {  	v2 =	vld [tilespmem:s8+$0x70]  }
0x87: {  	_ =	sdelay $0x3  }
0x88: {  	v1 =	vadd.s32 $0x8000, v1;
	v2 =	vadd.s32 $0x8000, v2  }
0x89: {  	s8 =	sshll.u32 s5, $0xD;
	s5 =	sadd.s32 $0x1, s5;
	v1 =	vshrl.u32 v1, $0x10;
	v2 =	vand.u32 $0xFFFF0000, v2  }
0x8a: {  	s8 =	sand.u32 $0x3FFFE000, s8;
	p0 =	sne.s32 s5, $0x4;
	v1 =	vor.u32 v1, v2  }
.Ltmp1:
0x8b: {  	s8 =	sadd.s32 s8, s9;
	[tilespmem:s11+$0x128F0] =	vst v1;
	(pc) =	sbr.rel @p0 .LBB2_3-.Ltmp1, $4  }
0x8c: {  	[spmem:s8] =	stream.linear.scatter [tilespmem:s17], [sflag:$0x2], $0x2000, $0x38;
	[tilespmem:$0x1C880] =	vst v63  }
0x8d: {  	_ =	swait.ge [sflag:s15], $0x2000  }
0x8e: {  	[sflag:s15] =	ssyncset.done $0x0  }
0x8f: {  	[sflag:s15] =	ssyncadd.s32 $0xFFFFE000  }
.Ltmp2:
0x90: {  	(pc) =	sbr.rel .LBB2_7-.Ltmp2, $4  }
0x91: {  	_ = 	snop  }
0x92: {  	s24 =	sshll.u32 s19, $0x14  }
0x93: {  	[bflag:$0x0] =	sbarrier.arrive $0xFFFF;
	v1 =	vmov s19;
	p0 =	por $0x0, $0x0;
	s28 =	simm.s32 $0xFFFFE000  }
0x94: {  	s29 =	simm.s32 $0x0;
	[dreg:$0xb] =	wrdreg s19;
	s25 =	sor.u32 $0x80000, s24;
	v1 =	vperm.xlane v0, v1  }
.LBB2_13:
0x95: {  	[tilespmem:s0], [sflag:$0x1] =	stream.indirect.gather [spmem:s3], $0x1, s2, s14, $0xb8;
	[tilespmem:$0x1C880] =	vst v63  }
.LBB2_14:
0x96: {  	s29 =	sadd.s32 $0x1, s29  }
0x97: {  	p1 =	sne.s32 s29, $0x10  }
.Ltmp3:
0x98: {  	_ = 	snop;
	(pc) =	sbr.rel @!p1 .LBB2_15-.Ltmp3, $2  }
0x99: {  	_ =	sdelay $0x2  }
0x9a: {  	p0 =	por !p0, !p0;
	s28 =	sadd.s32 $0x2000, s28  }
.LBB2_7:
0x9b: {  	s8 =	sand.u32 $0x1, s29  }
0x9c: {  	p1 =	seq.s32 s8, $0x1  }
0x9d: {  	s0 =	sshll.u32 @!p1 s29, $0xC  }
0x9e: {  	s0 =	sadd.s32 @!p1 s10, s0  }
0x9f: {  	s0 =	sshrl.u32 @!p1 s0, $0x3  }
0xa0: {  	s5 =	simm.s32 $0x1;
	s2 =	simm.s32 @!p1 $0x0;
	s0 =	sadd.s32 @!p1 s1, s0  }
0xa1: {  	[tilespmem:s2], [sflag:$0x3] =	stream.linear.gather @!p1 [hbm4b:s0+s2], $0x2000, $0x38;
	[tilespmem:$0x1C880] =	vst v63  }
0xa2: {  	s5 =	simm.s32 @!p0 $0x0;
	s0 =	simm.s32 @!p1 $0x3  }
0xa3: {  	s2 =	sshll.u32 s5, $0xC;
	_ =	swait.ge @!p1 [sflag:s0], $0x2000  }
0xa4: {  	s11 =	sand.u32 $0x60, s26;
	s12 =	sand.u32 $0x1E00, s2;
	[sflag:s0] =	ssyncset.done @!p1 $0x0  }
0xa5: {  	s19 =	sor.u32 s11, s12;
	[sflag:s0] =	ssyncadd.s32 @!p1 $0xFFFFE000  }
0xa6: {  	v2 =	vld [tilespmem:s19+$0x80]  }
0xa7: {  	v3 =	vld [tilespmem:s19+$0x0]  }
0xa8: {  	v4 =	vld [tilespmem:s19+$0x100];
	_ =	sdelay $0x3  }
0xa9: {  	v2 =	vmul.f32 v2, v1  }
0xaa: {  	v3 =	vmul.f32 v3, v1;
	v4 =	vmul.f32 v4, v1  }
0xab: {  	v5 =	vtrunc.f32 v2  }
0xac: {  	v6 =	vtrunc.f32 v3;
	v7 =	vtrunc.f32 v4  }
0xad: {  	v5 =	vcvt.f32.s32 v5;
	v6 =	vcvt.f32.s32 v6  }
0xae: {  	v7 =	vcvt.f32.s32 v7  }
0xaf: {  	v8 =	vcvt.s32.f32 v5;
	v9 =	vcvt.s32.f32 v6  }
0xb0: {  	v53 =	vcvt.s32.f32 v7  }
0xb1: {  	v2 =	vsub.f32 v2, v8;
	v3 =	vsub.f32 v3, v9  }
0xb2: {  	v6 =	vmul.u32 $0x1782FF, v6;
	v4 =	vsub.f32 v4, v53  }
0xb3: {  	v5 =	vmul.u32 $0x132DAF, v5;
	v54 =	vsub.f32 $1.000000000e+00, v2;
	v55 =	vsub.f32 $1.000000000e+00, v3  }
0xb4: {  	v7 =	vmul.u32 $0x1DDD03, v7  }
0xb5: {  	v10 =	vxor.u32 v6, v5;
	v11 =	vsub.f32 $1.000000000e+00, v4;
	v12 =	vmul.f32 v54, v55  }
0xb6: {  	s5 =	sshll.u32 s5, $0xD;
	v13 =	vadd.s32 $0x132DAF, v5;
	v14 =	vxor.u32 v7, v10  }
0xb7: {  	s0 =	sadd.s32 $0x2100, s5;
	v15 =	vadd.s32 $0x1DDD03, v7;
	v14 =	vand.u32 $0x7FFFF, v14;
	v16 =	vmul.f32 v11, v12  }
0xb8: {  	s5 =	sadd.s32 $0x6100, s5;
	v17 =	vxor.u32 v6, v13;
	v10 =	vxor.u32 v10, v15;
	[tilespmem:s0+$0xFFFFFF80] =	vst v14  }
0xb9: {  	v10 =	vand.u32 $0x7FFFF, v10;
	v8 =	vmul.f32 v2, v55;
	v12 =	vmul.f32 v12, v4;
	[tilespmem:s5+$0xFFFFFF80] =	vst v16  }
0xba: {  	v56 =	vxor.u32 v7, v17;
	[tilespmem:s0+$0xFFFFFF90] =	vst v10  }
0xbb: {  	v6 =	vadd.s32 $0x1782FF, v6;
	v58 =	vand.u32 $0x7FFFF, v56;
	v57 =	vmul.f32 v11, v8;
	[tilespmem:s5+$0xFFFFFF90] =	vst v12  }
0xbc: {  	v59 =	vxor.u32 v15, v17;
	v5 =	vxor.u32 v5, v6;
	[tilespmem:s0+$0xFFFFFFA0] =	vst v58  }
0xbd: {  	v60 =	vand.u32 $0x7FFFF, v59;
	v9 =	vmul.f32 v54, v3;
	v8 =	vmul.f32 v4, v8;
	[tilespmem:s5+$0xFFFFFFA0] =	vst v57  }
0xbe: {  	v61 =	vxor.u32 v7, v5;
	[tilespmem:s0+$0xFFFFFFB0] =	vst v60  }
0xbf: {  	v62 =	vand.u32 $0x7FFFF, v61;
	v63 =	vmul.f32 v11, v9;
	[tilespmem:s5+$0xFFFFFFB0] =	vst v8  }
0xc0: {  	v6 =	vxor.u32 v6, v13;
	v5 =	vxor.u32 v5, v15;
	[tilespmem:s0+$0xFFFFFFC0] =	vst v62  }
0xc1: {  	v2 =	vmul.f32 v2, v3;
	v5 =	vand.u32 $0x7FFFF, v5;
	v3 =	vmul.f32 v9, v4;
	[tilespmem:s5+$0xFFFFFFC0] =	vst v63  }
0xc2: {  	v7 =	vxor.u32 v7, v6;
	[tilespmem:s0+$0xFFFFFFD0] =	vst v5  }
0xc3: {  	v5 =	vmul.f32 v11, v2;
	[tilespmem:s5+$0xFFFFFFD0] =	vst v3;
	v3 =	vand.u32 $0x7FFFF, v7  }
0xc4: {  	v6 =	vxor.u32 v15, v6;
	[tilespmem:s0+$0xFFFFFFE0] =	vst v3  }
0xc5: {  	s22 =	simm.s32 $0x10;
	s23 =	sadd.s32 $0x40, s2;
	v2 =	vmul.f32 v4, v2;
	v3 =	vand.u32 $0x7FFFF, v6;
	[tilespmem:s5+$0xFFFFFFE0] =	vst v5  }
0xc6: {  	s11 =	sand.u32 $0x70, s22;
	s12 =	sand.u32 $0x1E00, s23;
	[tilespmem:s0+$0xFFFFFFF0] =	vst v3  }
0xc7: {  	s11 =	sor.u32 s11, s12;
	[tilespmem:s5+$0xFFFFFFF0] =	vst v2  }
0xc8: {  	s13 =	sand.u32 $0x2000, s28;
	v2 =	vld [tilespmem:s11+$0x0]  }
0xc9: {  	s31 =	sadd.s32 $0x6100, s13;
	v3 =	vld [tilespmem:s11+$0x80]  }
0xca: {  	s30 =	sadd.s32 $0xA100, s13;
	s13 =	sshll.u32 s8, $0xD;
	s22 =	simm.s32 $0x0;
	v4 =	vld [tilespmem:s11+$0x100]  }
0xcb: {  	s12 =	simm.s32 $0x0;
	s8 =	sadd.s32 $0x100, s0;
	s11 =	sadd.s32 $0x100, s5  }
.LBB2_8:
0xcc: {  	s22 =	sadd.s32 $0x2, s22;
	s12 =	sadd.s32 $0x20, s12;
	s2 =	sadd.s32 $0x80, s2  }
0xcd: {  	s23 =	sand.u32 $0x60, s12;
	s19 =	sand.u32 $0x1E00, s2;
	p1 =	slt.u32 s22, $0x3E;
	v2 =	vmul.f32 v2, v1  }
0xce: {  	s23 =	sor.u32 s23, s19;
	v3 =	vmul.f32 v3, v1  }
0xcf: {  	v4 =	vmul.f32 v4, v1;
	v5 =	vtrunc.f32 v2  }
0xd0: {  	v5 =	vcvt.f32.s32 v5;
	v6 =	vtrunc.f32 v3  }
0xd1: {  	v6 =	vcvt.f32.s32 v6;
	v7 =	vtrunc.f32 v4  }
0xd2: {  	v7 =	vcvt.f32.s32 v7;
	v8 =	vcvt.s32.f32 v5  }
0xd3: {  	v5 =	vmul.u32 $0x1782FF, v5;
	v9 =	vcvt.s32.f32 v6;
	v6 =	vmul.u32 $0x132DAF, v6  }
0xd4: {  	v2 =	vsub.f32 v2, v8;
	v8 =	vcvt.s32.f32 v7;
	v7 =	vmul.u32 $0x1DDD03, v7  }
0xd5: {  	v3 =	vsub.f32 v3, v9;
	v9 =	vadd.s32 $0x132DAF, v6;
	v10 =	vxor.u32 v5, v6  }
0xd6: {  	v4 =	vsub.f32 v4, v8;
	v8 =	vsub.f32 $1.000000000e+00, v2;
	v11 =	vxor.u32 v7, v10  }
0xd7: {  	v12 =	vadd.s32 $0x1DDD03, v7;
	v13 =	vsub.f32 $1.000000000e+00, v3;
	v11 =	vand.u32 $0x7FFFF, v11  }
0xd8: {  	v10 =	vxor.u32 v10, v12;
	[tilespmem:s0+$0x0] =	vst v11;
	v11 =	vxor.u32 v5, v9;
	v14 =	vmul.f32 v3, v8  }
0xd9: {  	v15 =	vsub.f32 $1.000000000e+00, v4;
	v8 =	vmul.f32 v13, v8;
	v16 =	vxor.u32 v7, v11  }
0xda: {  	v11 =	vxor.u32 v12, v11;
	v13 =	vmul.f32 v13, v2;
	v17 =	vmul.f32 v4, v14  }
0xdb: {  	v5 =	vadd.s32 $0x1782FF, v5;
	v14 =	vmul.f32 v15, v14;
	v18 =	vmul.f32 v15, v8  }
0xdc: {  	v6 =	vxor.u32 v6, v5;
	v19 =	vmul.f32 v15, v13;
	v13 =	vmul.f32 v13, v4  }
0xdd: {  	v10 =	vand.u32 $0x7FFFF, v10;
	v5 =	vxor.u32 v5, v9;
	v8 =	vmul.f32 v8, v4;
	[tilespmem:s5+$0x0] =	vst v18  }
0xde: {  	v9 =	vxor.u32 v6, v12;
	[tilespmem:s0+$0x10] =	vst v10;
	v10 =	vxor.u32 v7, v5;
	v5 =	vxor.u32 v12, v5  }
0xdf: {  	v2 =	vmul.f32 v3, v2;
	v6 =	vxor.u32 v7, v6;
	[tilespmem:s5+$0x10] =	vst v8;
	v8 =	vand.u32 $0x7FFFF, v16  }
0xe0: {  	[tilespmem:s0+$0x20] =	vst v8  }
0xe1: {  	v3 =	vand.u32 $0x7FFFF, v11;
	v4 =	vmul.f32 v4, v2;
	[tilespmem:s5+$0x20] =	vst v14  }
0xe2: {  	[tilespmem:s0+$0x30] =	vst v3  }
0xe3: {  	v3 =	vand.u32 $0x7FFFF, v6;
	[tilespmem:s5+$0x30] =	vst v17  }
0xe4: {  	[tilespmem:s0+$0x40] =	vst v3  }
0xe5: {  	v3 =	vand.u32 $0x7FFFF, v9;
	[tilespmem:s5+$0x40] =	vst v19  }
0xe6: {  	[tilespmem:s0+$0x50] =	vst v3  }
0xe7: {  	v2 =	vmul.f32 v15, v2;
	v3 =	vand.u32 $0x7FFFF, v10;
	[tilespmem:s5+$0x50] =	vst v13  }
0xe8: {  	[tilespmem:s0+$0x60] =	vst v3  }
0xe9: {  	[tilespmem:s5+$0x60] =	vst v2;
	v2 =	vand.u32 $0x7FFFF, v5  }
0xea: {  	[tilespmem:s0+$0x70] =	vst v2;
	s0 =	smov.u32 s8  }
0xeb: {  	[tilespmem:s5+$0x70] =	vst v4;
	s5 =	smov.u32 s11  }
0xec: {  	v2 =	vld [tilespmem:s23+$0x80]  }
0xed: {  	v3 =	vld [tilespmem:s23+$0x0]  }
0xee: {  	v4 =	vld [tilespmem:s23+$0x100];
	_ =	sdelay $0x2  }
0xef: {  	v2 =	vmul.f32 v2, v1  }
0xf0: {  	v3 =	vmul.f32 v3, v1  }
0xf1: {  	v4 =	vmul.f32 v4, v1;
	v5 =	vtrunc.f32 v2  }
0xf2: {  	v6 =	vtrunc.f32 v3;
	v5 =	vcvt.f32.s32 v5  }
0xf3: {  	v6 =	vcvt.f32.s32 v6  }
0xf4: {  	v7 =	vtrunc.f32 v4;
	v8 =	vcvt.s32.f32 v5  }
0xf5: {  	v7 =	vcvt.f32.s32 v7;
	v9 =	vcvt.s32.f32 v6;
	v6 =	vmul.u32 $0x1782FF, v6  }
0xf6: {  	v5 =	vmul.u32 $0x132DAF, v5;
	v2 =	vsub.f32 v2, v8  }
0xf7: {  	v8 =	vcvt.s32.f32 v7;
	v7 =	vmul.u32 $0x1DDD03, v7;
	v3 =	vsub.f32 v3, v9  }
0xf8: {  	v9 =	vadd.s32 $0x132DAF, v5;
	v11 =	vxor.u32 v6, v5;
	v10 =	vsub.f32 $1.000000000e+00, v2  }
0xf9: {  	v4 =	vsub.f32 v4, v8;
	v12 =	vxor.u32 v7, v11;
	v8 =	vsub.f32 $1.000000000e+00, v3  }
0xfa: {  	v13 =	vadd.s32 $0x1DDD03, v7;
	v14 =	vxor.u32 v6, v9;
	v12 =	vand.u32 $0x7FFFF, v12  }
0xfb: {  	v11 =	vxor.u32 v11, v13;
	v15 =	vsub.f32 $1.000000000e+00, v4;
	v16 =	vmul.f32 v10, v8  }
0xfc: {  	v17 =	vxor.u32 v7, v14;
	v14 =	vxor.u32 v13, v14;
	v8 =	vmul.f32 v2, v8  }
0xfd: {  	v6 =	vadd.s32 $0x1782FF, v6;
	v18 =	vmul.f32 v15, v16;
	v16 =	vmul.f32 v16, v4  }
0xfe: {  	v5 =	vxor.u32 v5, v6;
	[tilespmem:s8+$0xFFFFFF80] =	vst v12;
	v12 =	vmul.f32 v15, v8;
	v8 =	vmul.f32 v4, v8  }
0xff: {  	v11 =	vand.u32 $0x7FFFF, v11;
	v10 =	vmul.f32 v10, v3;
	[tilespmem:s11+$0xFFFFFF80] =	vst v18;
	v18 =	vxor.u32 v7, v5  }
0x100: {  	v6 =	vxor.u32 v6, v9;
	v2 =	vmul.f32 v2, v3;
	v5 =	vxor.u32 v5, v13;
	[tilespmem:s8+$0xFFFFFF90] =	vst v11  }
0x101: {  	v3 =	vand.u32 $0x7FFFF, v17;
	v9 =	vmul.f32 v10, v4;
	v11 =	vxor.u32 v13, v6;
	[tilespmem:s11+$0xFFFFFF90] =	vst v16  }
0x102: {  	v4 =	vmul.f32 v4, v2;
	[tilespmem:s8+$0xFFFFFFA0] =	vst v3;
	v3 =	vxor.u32 v7, v6  }
0x103: {  	v6 =	vand.u32 $0x7FFFF, v14;
	[tilespmem:s11+$0xFFFFFFA0] =	vst v12  }
0x104: {  	[tilespmem:s8+$0xFFFFFFB0] =	vst v6  }
0x105: {  	v7 =	vmul.f32 v15, v10;
	v6 =	vand.u32 $0x7FFFF, v18;
	[tilespmem:s11+$0xFFFFFFB0] =	vst v8  }
0x106: {  	[tilespmem:s8+$0xFFFFFFC0] =	vst v6  }
0x107: {  	v5 =	vand.u32 $0x7FFFF, v5;
	[tilespmem:s11+$0xFFFFFFC0] =	vst v7  }
0x108: {  	[tilespmem:s8+$0xFFFFFFD0] =	vst v5  }
0x109: {  	v2 =	vmul.f32 v15, v2;
	v3 =	vand.u32 $0x7FFFF, v3;
	[tilespmem:s11+$0xFFFFFFD0] =	vst v9  }
0x10a: {  	[tilespmem:s8+$0xFFFFFFE0] =	vst v3  }
0x10b: {  	s19 =	sadd.s32 $0x10, s12;
	s23 =	sadd.s32 $0x40, s2;
	[tilespmem:s11+$0xFFFFFFE0] =	vst v2;
	v2 =	vand.u32 $0x7FFFF, v11  }
0x10c: {  	s19 =	sand.u32 $0x70, s19;
	s23 =	sand.u32 $0x1E00, s23;
	[tilespmem:s8+$0xFFFFFFF0] =	vst v2  }
.Ltmp4:
0x10d: {  	s19 =	sor.u32 s19, s23;
	[tilespmem:s11+$0xFFFFFFF0] =	vst v4;
	(pc) =	sbr.rel @p1 .LBB2_8-.Ltmp4, $4  }
0x10e: {  	v2 =	vld [tilespmem:s19+$0x0]  }
0x10f: {  	v3 =	vld [tilespmem:s19+$0x80]  }
0x110: {  	v4 =	vld [tilespmem:s19+$0x100]  }
0x111: {  	s8 =	sadd.s32 $0x100, s8;
	s11 =	sadd.s32 $0x100, s11  }
0x112: {  	_ = 	snop  }
0x113: {  	v2 =	vmul.f32 v2, v1  }
0x114: {  	v3 =	vmul.f32 v3, v1  }
0x115: {  	v4 =	vmul.f32 v4, v1;
	v5 =	vtrunc.f32 v2  }
0x116: {  	v5 =	vcvt.f32.s32 v5;
	v6 =	vtrunc.f32 v3  }
0x117: {  	v6 =	vcvt.f32.s32 v6;
	v7 =	vtrunc.f32 v4  }
0x118: {  	v7 =	vcvt.f32.s32 v7  }
0x119: {  	v8 =	vcvt.s32.f32 v5;
	v9 =	vcvt.s32.f32 v6  }
0x11a: {  	v10 =	vcvt.s32.f32 v7  }
0x11b: {  	v2 =	vsub.f32 v2, v8;
	v3 =	vsub.f32 v3, v9  }
0x11c: {  	v5 =	vmul.u32 $0x1782FF, v5;
	v4 =	vsub.f32 v4, v10  }
0x11d: {  	v6 =	vmul.u32 $0x132DAF, v6;
	v8 =	vsub.f32 $1.000000000e+00, v2;
	v9 =	vsub.f32 $1.000000000e+00, v3  }
0x11e: {  	v7 =	vmul.u32 $0x1DDD03, v7  }
0x11f: {  	v53 =	vxor.u32 v5, v6;
	v11 =	vsub.f32 $1.000000000e+00, v4;
	v12 =	vmul.f32 v9, v8  }
0x120: {  	v13 =	vadd.s32 $0x132DAF, v6;
	v14 =	vxor.u32 v7, v53  }
0x121: {  	v15 =	vadd.s32 $0x1DDD03, v7;
	v14 =	vand.u32 $0x7FFFF, v14;
	v16 =	vmul.f32 v11, v12  }
0x122: {  	v54 =	vxor.u32 v5, v13;
	v10 =	vxor.u32 v53, v15;
	[tilespmem:s0+$0x0] =	vst v14  }
0x123: {  	v10 =	vand.u32 $0x7FFFF, v10;
	v8 =	vmul.f32 v3, v8;
	v12 =	vmul.f32 v12, v4;
	[tilespmem:s5+$0x0] =	vst v16  }
0x124: {  	v55 =	vxor.u32 v7, v54;
	[tilespmem:s0+$0x10] =	vst v10  }
0x125: {  	v5 =	vadd.s32 $0x1782FF, v5;
	v57 =	vand.u32 $0x7FFFF, v55;
	v56 =	vmul.f32 v11, v8;
	[tilespmem:s5+$0x10] =	vst v12  }
0x126: {  	v6 =	vxor.u32 v6, v5;
	v14 =	vxor.u32 v15, v54;
	[tilespmem:s0+$0x20] =	vst v57  }
0x127: {  	v9 =	vmul.f32 v9, v2;
	v58 =	vand.u32 $0x7FFFF, v14;
	v8 =	vmul.f32 v4, v8;
	[tilespmem:s5+$0x20] =	vst v56  }
0x128: {  	v59 =	vxor.u32 v7, v6;
	[tilespmem:s0+$0x30] =	vst v58  }
0x129: {  	v61 =	vand.u32 $0x7FFFF, v59;
	v60 =	vmul.f32 v11, v9;
	[tilespmem:s5+$0x30] =	vst v8  }
0x12a: {  	v5 =	vxor.u32 v5, v13;
	v6 =	vxor.u32 v6, v15;
	[tilespmem:s0+$0x40] =	vst v61  }
0x12b: {  	v2 =	vmul.f32 v3, v2;
	v3 =	vand.u32 $0x7FFFF, v6;
	v9 =	vmul.f32 v9, v4;
	[tilespmem:s5+$0x40] =	vst v60  }
0x12c: {  	p1 =	seq.s32 s29, $0x0;
	v62 =	vxor.u32 v7, v5;
	[tilespmem:s0+$0x50] =	vst v3  }
.Ltmp5:
0x12d: {  	v63 =	vmul.f32 v11, v2;
	v3 =	vand.u32 $0x7FFFF, v62;
	[tilespmem:s5+$0x50] =	vst v9;
	(pc) =	sbr.rel @p1 .LBB2_13-.Ltmp5, $4  }
0x12e: {  	v5 =	vxor.u32 v15, v5;
	[tilespmem:s0+$0x60] =	vst v3  }
0x12f: {  	v2 =	vmul.f32 v4, v2;
	v3 =	vand.u32 $0x7FFFF, v5;
	[tilespmem:s5+$0x60] =	vst v63  }
0x130: {  	[tilespmem:s0+$0x70] =	vst v3  }
0x131: {  	s2 =	sadd.s32 $0x2080, s13;
	s0 =	sadd.s32 $0xA080, s13;
	[tilespmem:s5+$0x70] =	vst v2  }
0x132: {  	_ =	swait.ge [sflag:s18], $0x2000  }
0x133: {  	[sflag:s18] =	ssyncset.done $0x0  }
0x134: {  	[sflag:s18] =	ssyncadd.s32 $0xFFFFE000  }
0x135: {  	[tilespmem:s0], [sflag:$0x1] =	stream.indirect.gather [spmem:s3], $0x1, s2, s14, $0xb8;
	[tilespmem:$0x1C880] =	vst v63  }
0x136: {  	v2 =	vld [tilespmem:s31+$0xFFFFFF80]  }
0x137: {  	v3 =	vld [tilespmem:s30+$0xFFFFFF80]  }
0x138: {  	v4 =	vld [tilespmem:s30+$0xFFFFFF90]  }
0x139: {  	v5 =	vld [tilespmem:s31+$0xFFFFFF90]  }
0x13a: {  	v6 =	vld [tilespmem:s30+$0xFFFFFFA0]  }
0x13b: {  	v7 =	vld [tilespmem:s31+$0xFFFFFFA0]  }
0x13c: {  	v8 =	vld [tilespmem:s30+$0xFFFFFFB0]  }
0x13d: {  	v11 =	vld [tilespmem:s31+$0xFFFFFFB0];
	v9 =	vshll.u32 v3, $0x10;
	v3 =	vand.u32 $0xFFFF0000, v3;
	v10 =	vshll.u32 v4, $0x10  }
0x13e: {  	v12 =	vld [tilespmem:s30+$0xFFFFFFC0];
	v4 =	vand.u32 $0xFFFF0000, v4;
	v9 =	vmul.f32 v9, v2;
	v10 =	vmul.f32 v10, v5  }
0x13f: {  	v4 =	vmul.f32 v4, v5;
	v2 =	vmul.f32 v3, v2;
	v3 =	vshll.u32 v6, $0x10;
	v5 =	vld [tilespmem:s31+$0xFFFFFFC0]  }
0x140: {  	v46 =	vld [tilespmem:s30+$0xFFFFFFD0];
	v6 =	vand.u32 $0xFFFF0000, v6;
	v3 =	vmul.f32 v3, v7;
	v9 =	vadd.f32 v10, v9  }
0x141: {  	v2 =	vadd.f32 v4, v2;
	v4 =	vmul.f32 v6, v7;
	v6 =	vshll.u32 v8, $0x10;
	v7 =	vld [tilespmem:s31+$0xFFFFFFD0]  }
0x142: {  	v47 =	vld [tilespmem:s30+$0xFFFFFFE0];
	v8 =	vand.u32 $0xFFFF0000, v8;
	v6 =	vmul.f32 v6, v11;
	v3 =	vadd.f32 v3, v9  }
0x143: {  	v49 =	vld [tilespmem:s31+$0xFFFFFFE0];
	v48 =	vshll.u32 v12, $0x10;
	v2 =	vadd.f32 v4, v2;
	v4 =	vmul.f32 v8, v11  }
0x144: {  	v50 =	vld [tilespmem:s30+$0xFFFFFFF0];
	v8 =	vmul.f32 v48, v5;
	v3 =	vadd.f32 v6, v3;
	v6 =	vand.u32 $0xFFFF0000, v12  }
0x145: {  	v2 =	vadd.f32 v4, v2;
	v4 =	vmul.f32 v6, v5;
	v5 =	vshll.u32 v46, $0x10;
	v6 =	vld [tilespmem:s31+$0xFFFFFFF0]  }
0x146: {  	v51 =	vand.u32 $0xFFFF0000, v46;
	v3 =	vadd.f32 v8, v3;
	v5 =	vmul.f32 v5, v7  }
0x147: {  	v2 =	vadd.f32 v4, v2;
	v4 =	vmul.f32 v51, v7;
	v7 =	vshll.u32 v47, $0x10  }
0x148: {  	v3 =	vadd.f32 v5, v3;
	v5 =	vand.u32 $0xFFFF0000, v47;
	v7 =	vmul.f32 v7, v49  }
0x149: {  	v2 =	vadd.f32 v4, v2;
	v4 =	vmul.f32 v5, v49;
	v5 =	vshll.u32 v50, $0x10  }
0x14a: {  	v3 =	vadd.f32 v7, v3;
	v7 =	vand.u32 $0xFFFF0000, v50;
	v5 =	vmul.f32 v5, v6  }
0x14b: {  	v2 =	vadd.f32 v4, v2;
	v4 =	vmul.f32 v7, v6  }
0x14c: {  	v3 =	vadd.f32 v5, v3  }
0x14d: {  	s0 =	simm.s32 $0xE090;
	v2 =	vadd.f32 v4, v2  }
0x14e: {  	s2 =	simm.s32 $0xE490;
	[tilespmem:s0+$0xFFFFFFF0] =	vst v3  }
0x14f: {  	[tilespmem:s2+$0xFFFFFFF0] =	vst v2  }
0x150: {  	v2 =	vld [tilespmem:s31+$0x10]  }
0x151: {  	v3 =	vld [tilespmem:s30+$0x10]  }
0x152: {  	v4 =	vld [tilespmem:s30+$0x0]  }
0x153: {  	v5 =	vld [tilespmem:s31+$0x0]  }
0x154: {  	v6 =	vld [tilespmem:s30+$0x20]  }
0x155: {  	v7 =	vld [tilespmem:s31+$0x20]  }
0x156: {  	v52 =	vld [tilespmem:s30+$0x30]  }
0x157: {  	v55 =	vld [tilespmem:s31+$0x30];
	v53 =	vshll.u32 v3, $0x10;
	v3 =	vand.u32 $0xFFFF0000, v3;
	v54 =	vshll.u32 v4, $0x10  }
0x158: {  	v56 =	vld [tilespmem:s30+$0x40];
	v4 =	vand.u32 $0xFFFF0000, v4;
	v9 =	vmul.f32 v53, v2;
	v10 =	vmul.f32 v54, v5  }
0x159: {  	v4 =	vmul.f32 v4, v5;
	v2 =	vmul.f32 v3, v2;
	v3 =	vshll.u32 v6, $0x10;
	v5 =	vld [tilespmem:s31+$0x40]  }
0x15a: {  	v57 =	vld [tilespmem:s30+$0x50];
	v6 =	vand.u32 $0xFFFF0000, v6;
	v3 =	vmul.f32 v3, v7;
	v9 =	vadd.f32 v9, v10  }
0x15b: {  	v2 =	vadd.f32 v2, v4;
	v4 =	vmul.f32 v6, v7;
	v6 =	vshll.u32 v52, $0x10;
	v7 =	vld [tilespmem:s31+$0x50]  }
0x15c: {  	v58 =	vld [tilespmem:s30+$0x60];
	v8 =	vand.u32 $0xFFFF0000, v52;
	v6 =	vmul.f32 v6, v55;
	v3 =	vadd.f32 v3, v9  }
0x15d: {  	v60 =	vld [tilespmem:s31+$0x60];
	v59 =	vshll.u32 v56, $0x10;
	v2 =	vadd.f32 v4, v2;
	v4 =	vmul.f32 v8, v55  }
0x15e: {  	v61 =	vld [tilespmem:s30+$0x70];
	v8 =	vmul.f32 v59, v5;
	v3 =	vadd.f32 v6, v3;
	v6 =	vand.u32 $0xFFFF0000, v56  }
0x15f: {  	v2 =	vadd.f32 v4, v2;
	v4 =	vmul.f32 v6, v5;
	v5 =	vshll.u32 v57, $0x10;
	v6 =	vld [tilespmem:s31+$0x70]  }
0x160: {  	v62 =	vand.u32 $0xFFFF0000, v57;
	v3 =	vadd.f32 v8, v3;
	v5 =	vmul.f32 v5, v7  }
0x161: {  	v2 =	vadd.f32 v4, v2;
	v4 =	vmul.f32 v62, v7;
	v7 =	vshll.u32 v58, $0x10  }
0x162: {  	v3 =	vadd.f32 v5, v3;
	v5 =	vmul.f32 v7, v60;
	v7 =	vand.u32 $0xFFFF0000, v58  }
0x163: {  	v2 =	vadd.f32 v4, v2;
	v4 =	vshll.u32 v61, $0x10;
	v7 =	vmul.f32 v7, v60  }
0x164: {  	v5 =	vadd.f32 v5, v3;
	v63 =	vmul.f32 v4, v6;
	v4 =	vand.u32 $0xFFFF0000, v61  }
0x165: {  	s5 =	sadd.s32 $0xFFFFFFFF, s29;
	s8 =	simm.s32 $0x0;
	s12 =	sadd.s32 $0x100, s31;
	v3 =	vadd.f32 v7, v2;
	v4 =	vmul.f32 v4, v6  }
0x166: {  	s22 =	sadd.s32 $0x100, s30;
	s13 =	simm.s32 $0xE090;
	s11 =	simm.s32 $0xE490;
	v2 =	vadd.f32 v63, v5  }
.LBB2_11:
0x167: {  	s8 =	sadd.s32 $0x2, s8;
	v3 =	vadd.f32 v4, v3;
	s0 =	sadd.s32 $0x20, s0;
	s2 =	sadd.s32 $0x20, s2  }
0x168: {  	p1 =	slt.u32 s8, $0x3E;
	[tilespmem:s13+$0x0] =	vst v2;
	s13 =	smov.u32 s0  }
0x169: {  	[tilespmem:s11+$0x0] =	vst v3;
	s11 =	smov.u32 s2  }
0x16a: {  	v2 =	vld [tilespmem:s12+$0xFFFFFF80]  }
0x16b: {  	v3 =	vld [tilespmem:s22+$0xFFFFFF80]  }
0x16c: {  	v4 =	vld [tilespmem:s22+$0xFFFFFF90]  }
0x16d: {  	v5 =	vld [tilespmem:s12+$0xFFFFFF90]  }
0x16e: {  	v6 =	vld [tilespmem:s22+$0xFFFFFFA0]  }
0x16f: {  	v7 =	vld [tilespmem:s12+$0xFFFFFFA0]  }
0x170: {  	v8 =	vshll.u32 v3, $0x10;
	v3 =	vand.u32 $0xFFFF0000, v3;
	v9 =	vld [tilespmem:s22+$0xFFFFFFB0]  }
0x171: {  	v8 =	vmul.f32 v8, v2;
	v10 =	vshll.u32 v4, $0x10;
	v4 =	vand.u32 $0xFFFF0000, v4;
	v11 =	vld [tilespmem:s12+$0xFFFFFFB0]  }
0x172: {  	v10 =	vmul.f32 v10, v5;
	v4 =	vmul.f32 v4, v5;
	v5 =	vld [tilespmem:s22+$0xFFFFFFC0]  }
0x173: {  	v2 =	vmul.f32 v3, v2;
	v3 =	vshll.u32 v6, $0x10;
	v12 =	vld [tilespmem:s12+$0xFFFFFFC0]  }
0x174: {  	v6 =	vand.u32 $0xFFFF0000, v6;
	v8 =	vadd.f32 v10, v8;
	v3 =	vmul.f32 v3, v7;
	v10 =	vld [tilespmem:s22+$0xFFFFFFD0]  }
0x175: {  	v2 =	vadd.f32 v4, v2;
	v4 =	vmul.f32 v6, v7;
	v6 =	vshll.u32 v9, $0x10;
	v7 =	vld [tilespmem:s12+$0xFFFFFFD0]  }
0x176: {  	v3 =	vadd.f32 v3, v8;
	v8 =	vand.u32 $0xFFFF0000, v9;
	v6 =	vmul.f32 v6, v11;
	v9 =	vld [tilespmem:s22+$0xFFFFFFE0]  }
0x177: {  	v2 =	vadd.f32 v4, v2;
	v4 =	vmul.f32 v8, v11;
	v8 =	vshll.u32 v5, $0x10;
	v11 =	vld [tilespmem:s12+$0xFFFFFFE0]  }
0x178: {  	v5 =	vand.u32 $0xFFFF0000, v5;
	v3 =	vadd.f32 v6, v3;
	v6 =	vmul.f32 v8, v12;
	v8 =	vld [tilespmem:s22+$0xFFFFFFF0]  }
0x179: {  	v2 =	vadd.f32 v4, v2;
	v4 =	vmul.f32 v5, v12;
	v5 =	vshll.u32 v10, $0x10;
	v12 =	vld [tilespmem:s12+$0xFFFFFFF0]  }
0x17a: {  	v3 =	vadd.f32 v6, v3;
	v6 =	vand.u32 $0xFFFF0000, v10;
	v5 =	vmul.f32 v5, v7  }
0x17b: {  	v2 =	vadd.f32 v4, v2;
	v4 =	vmul.f32 v6, v7;
	v6 =	vshll.u32 v9, $0x10  }
0x17c: {  	v3 =	vadd.f32 v5, v3;
	v5 =	vand.u32 $0xFFFF0000, v9;
	v6 =	vmul.f32 v6, v11  }
0x17d: {  	v2 =	vadd.f32 v4, v2;
	v4 =	vmul.f32 v5, v11;
	v5 =	vshll.u32 v8, $0x10  }
0x17e: {  	v3 =	vadd.f32 v6, v3;
	v6 =	vand.u32 $0xFFFF0000, v8;
	v5 =	vmul.f32 v5, v12  }
0x17f: {  	v2 =	vadd.f32 v4, v2;
	v4 =	vmul.f32 v6, v12  }
0x180: {  	v3 =	vadd.f32 v5, v3  }
0x181: {  	v2 =	vadd.f32 v4, v2  }
0x182: {  	[tilespmem:s0+$0xFFFFFFF0] =	vst v3  }
0x183: {  	[tilespmem:s2+$0xFFFFFFF0] =	vst v2  }
0x184: {  	v2 =	vld [tilespmem:s12+$0x10]  }
0x185: {  	v3 =	vld [tilespmem:s22+$0x10]  }
0x186: {  	v4 =	vld [tilespmem:s22+$0x0]  }
0x187: {  	v5 =	vld [tilespmem:s12+$0x0]  }
0x188: {  	v6 =	vld [tilespmem:s22+$0x20]  }
0x189: {  	v7 =	vld [tilespmem:s12+$0x20]  }
0x18a: {  	v8 =	vshll.u32 v3, $0x10;
	v3 =	vand.u32 $0xFFFF0000, v3;
	v9 =	vld [tilespmem:s22+$0x30]  }
0x18b: {  	v10 =	vshll.u32 v4, $0x10;
	v4 =	vand.u32 $0xFFFF0000, v4;
	v8 =	vmul.f32 v8, v2;
	v11 =	vld [tilespmem:s12+$0x30]  }
0x18c: {  	v10 =	vmul.f32 v10, v5;
	v4 =	vmul.f32 v4, v5;
	v5 =	vld [tilespmem:s22+$0x40]  }
0x18d: {  	v2 =	vmul.f32 v3, v2;
	v3 =	vshll.u32 v6, $0x10;
	v12 =	vld [tilespmem:s12+$0x40]  }
0x18e: {  	v6 =	vand.u32 $0xFFFF0000, v6;
	v8 =	vadd.f32 v8, v10;
	v3 =	vmul.f32 v3, v7;
	v10 =	vld [tilespmem:s22+$0x50]  }
0x18f: {  	v2 =	vadd.f32 v2, v4;
	v4 =	vmul.f32 v6, v7;
	v6 =	vshll.u32 v9, $0x10;
	v7 =	vld [tilespmem:s12+$0x50]  }
0x190: {  	v3 =	vadd.f32 v3, v8;
	v8 =	vand.u32 $0xFFFF0000, v9;
	v6 =	vmul.f32 v6, v11;
	v9 =	vld [tilespmem:s22+$0x60]  }
0x191: {  	v2 =	vadd.f32 v4, v2;
	v4 =	vmul.f32 v8, v11;
	v8 =	vshll.u32 v5, $0x10;
	v11 =	vld [tilespmem:s12+$0x60]  }
0x192: {  	v5 =	vand.u32 $0xFFFF0000, v5;
	v3 =	vadd.f32 v6, v3;
	v6 =	vmul.f32 v8, v12;
	v8 =	vld [tilespmem:s22+$0x70]  }
0x193: {  	v2 =	vadd.f32 v4, v2;
	v4 =	vmul.f32 v5, v12;
	v5 =	vshll.u32 v10, $0x10;
	v12 =	vld [tilespmem:s12+$0x70]  }
0x194: {  	v3 =	vadd.f32 v6, v3;
	v6 =	vand.u32 $0xFFFF0000, v10;
	v5 =	vmul.f32 v5, v7  }
0x195: {  	v2 =	vadd.f32 v4, v2;
	v4 =	vmul.f32 v6, v7;
	v6 =	vshll.u32 v9, $0x10  }
.Ltmp6:
0x196: {  	v3 =	vadd.f32 v5, v3;
	v5 =	vand.u32 $0xFFFF0000, v9;
	v6 =	vmul.f32 v6, v11;
	(pc) =	sbr.rel @p1 .LBB2_11-.Ltmp6, $4  }
0x197: {  	v2 =	vadd.f32 v4, v2;
	v4 =	vmul.f32 v5, v11;
	v5 =	vshll.u32 v8, $0x10  }
0x198: {  	v7 =	vand.u32 $0xFFFF0000, v8;
	v6 =	vadd.f32 v6, v3;
	v5 =	vmul.f32 v5, v12  }
0x199: {  	v3 =	vadd.f32 v4, v2;
	v4 =	vmul.f32 v7, v12  }
0x19a: {  	s22 =	sadd.s32 $0x100, s22;
	s12 =	sadd.s32 $0x100, s12;
	v2 =	vadd.f32 v5, v6  }
0x19b: {  	s0 =	sshll.u32 s5, $0xA  }
0x19c: {  	s0 =	sadd.s32 s7, s0  }
0x19d: {  	v3 =	vadd.f32 v4, v3;
	s2 =	sadd.s32 s24, s0  }
0x19e: {  	[tilespmem:s13+$0x0] =	vst v2;
	s2 =	sshrl.u32 s2, $0x3  }
0x19f: {  	s31 =	simm.s32 $0xE080;
	[tilespmem:s11+$0x0] =	vst v3;
	s2 =	sadd.s32 s6, s2  }
0x1a0: {  	[hbm4b:s2+s4] =	stream.linear.scatter [tilespmem:s31], [sflag:$0x3], $0x400, $0x38;
	[tilespmem:$0x1C880] =	vst v63  }
0x1a1: {  	s0 =	sadd.s32 s0, s25;
	_ =	swait.ge [sflag:s21], $0x400  }
0x1a2: {  	s0 =	sshrl.u32 s0, $0x3;
	[sflag:s21] =	ssyncset.done $0x0  }
.Ltmp7:
0x1a3: {  	s0 =	sadd.s32 s6, s0;
	[sflag:s21] =	ssyncadd.s32 $0xFFFFFC00;
	(pc) =	sbr.rel .LBB2_14-.Ltmp7, $4  }
0x1a4: {  	[hbm4b:s0+s4] =	stream.linear.scatter [tilespmem:s20], [sflag:$0x2], $0x400, $0x38;
	[tilespmem:$0x1C880] =	vst v63  }
0x1a5: {  	_ =	swait.ge [sflag:s15], $0x400  }
0x1a6: {  	[sflag:s15] =	ssyncset.done $0x0  }
0x1a7: {  	[sflag:s15] =	ssyncadd.s32 $0xFFFFFC00  }
.LBB2_15:
0x1a8: {  	_ =	swait.ge [sflag:s18], $0x2000  }
0x1a9: {  	[sflag:s18] =	ssyncset.done $0x0  }
0x1aa: {  	s0 =	simm.s32 $0x8170;
	[sflag:s18] =	ssyncadd.s32 $0xFFFFE000  }
0x1ab: {  	s2 =	simm.s32 $0xC170;
	v1 =	vld [tilespmem:s0+$0xFFFFFF10]  }
0x1ac: {  	v2 =	vld [tilespmem:s2+$0xFFFFFF10]  }
0x1ad: {  	v3 =	vld [tilespmem:s2+$0xFFFFFF20]  }
0x1ae: {  	v4 =	vld [tilespmem:s0+$0xFFFFFF20]  }
0x1af: {  	v5 =	vld [tilespmem:s2+$0xFFFFFF30]  }
0x1b0: {  	v6 =	vld [tilespmem:s0+$0xFFFFFF30]  }
0x1b1: {  	v7 =	vld [tilespmem:s2+$0xFFFFFF40]  }
0x1b2: {  	v10 =	vld [tilespmem:s0+$0xFFFFFF40];
	v8 =	vshll.u32 v2, $0x10;
	v2 =	vand.u32 $0xFFFF0000, v2;
	v9 =	vshll.u32 v3, $0x10  }
0x1b3: {  	v11 =	vld [tilespmem:s2+$0xFFFFFF50];
	v3 =	vand.u32 $0xFFFF0000, v3;
	v8 =	vmul.f32 v8, v1;
	v9 =	vmul.f32 v9, v4  }
0x1b4: {  	v3 =	vmul.f32 v3, v4;
	v1 =	vmul.f32 v2, v1;
	v2 =	vshll.u32 v5, $0x10;
	v4 =	vld [tilespmem:s0+$0xFFFFFF50]  }
0x1b5: {  	v39 =	vld [tilespmem:s2+$0xFFFFFF60];
	v5 =	vand.u32 $0xFFFF0000, v5;
	v2 =	vmul.f32 v2, v6;
	v8 =	vadd.f32 v9, v8  }
0x1b6: {  	v40 =	vld [tilespmem:s0+$0xFFFFFF60];
	v1 =	vadd.f32 v3, v1;
	v3 =	vmul.f32 v5, v6;
	v5 =	vshll.u32 v7, $0x10  }
0x1b7: {  	v41 =	vld [tilespmem:s2+$0xFFFFFF70];
	v7 =	vand.u32 $0xFFFF0000, v7;
	v5 =	vmul.f32 v5, v10;
	v2 =	vadd.f32 v2, v8  }
0x1b8: {  	v43 =	vld [tilespmem:s0+$0xFFFFFF70];
	v42 =	vshll.u32 v11, $0x10;
	v1 =	vadd.f32 v3, v1;
	v3 =	vmul.f32 v7, v10  }
0x1b9: {  	v44 =	vld [tilespmem:s2+$0xFFFFFF80];
	v7 =	vmul.f32 v42, v4;
	v2 =	vadd.f32 v5, v2;
	v5 =	vand.u32 $0xFFFF0000, v11  }
0x1ba: {  	v1 =	vadd.f32 v3, v1;
	v3 =	vmul.f32 v5, v4;
	v4 =	vshll.u32 v39, $0x10;
	v5 =	vld [tilespmem:s0+$0xFFFFFF80]  }
0x1bb: {  	v45 =	vand.u32 $0xFFFF0000, v39;
	v2 =	vadd.f32 v7, v2;
	v4 =	vmul.f32 v4, v40  }
0x1bc: {  	v46 =	vshll.u32 v41, $0x10;
	v1 =	vadd.f32 v3, v1;
	v3 =	vmul.f32 v45, v40  }
0x1bd: {  	v6 =	vmul.f32 v46, v43;
	v2 =	vadd.f32 v4, v2;
	v4 =	vand.u32 $0xFFFF0000, v41  }
0x1be: {  	v1 =	vadd.f32 v3, v1;
	v3 =	vmul.f32 v4, v43;
	v4 =	vshll.u32 v44, $0x10  }
0x1bf: {  	v47 =	vand.u32 $0xFFFF0000, v44;
	v2 =	vadd.f32 v6, v2;
	v4 =	vmul.f32 v4, v5  }
0x1c0: {  	v1 =	vadd.f32 v3, v1;
	v3 =	vmul.f32 v47, v5  }
0x1c1: {  	v2 =	vadd.f32 v4, v2  }
0x1c2: {  	s5 =	simm.s32 $0xE090;
	v1 =	vadd.f32 v3, v1  }
0x1c3: {  	s13 =	simm.s32 $0xE490;
	[tilespmem:s5+$0xFFFFFFF0] =	vst v2  }
0x1c4: {  	[tilespmem:s13+$0xFFFFFFF0] =	vst v1  }
0x1c5: {  	v1 =	vld [tilespmem:s0+$0xFFFFFFA0]  }
0x1c6: {  	v2 =	vld [tilespmem:s2+$0xFFFFFFA0]  }
0x1c7: {  	v3 =	vld [tilespmem:s2+$0xFFFFFF90]  }
0x1c8: {  	v4 =	vld [tilespmem:s0+$0xFFFFFF90]  }
0x1c9: {  	v5 =	vld [tilespmem:s2+$0xFFFFFFB0]  }
0x1ca: {  	v48 =	vld [tilespmem:s0+$0xFFFFFFB0]  }
0x1cb: {  	v49 =	vld [tilespmem:s2+$0xFFFFFFC0]  }
0x1cc: {  	v52 =	vld [tilespmem:s0+$0xFFFFFFC0];
	v50 =	vshll.u32 v2, $0x10;
	v2 =	vand.u32 $0xFFFF0000, v2;
	v51 =	vshll.u32 v3, $0x10  }
0x1cd: {  	v53 =	vld [tilespmem:s2+$0xFFFFFFD0];
	v3 =	vand.u32 $0xFFFF0000, v3;
	v8 =	vmul.f32 v50, v1;
	v9 =	vmul.f32 v51, v4  }
0x1ce: {  	v3 =	vmul.f32 v3, v4;
	v1 =	vmul.f32 v2, v1;
	v2 =	vshll.u32 v5, $0x10;
	v4 =	vld [tilespmem:s0+$0xFFFFFFD0]  }
0x1cf: {  	v54 =	vld [tilespmem:s2+$0xFFFFFFE0];
	v5 =	vand.u32 $0xFFFF0000, v5;
	v2 =	vmul.f32 v2, v48;
	v8 =	vadd.f32 v8, v9  }
0x1d0: {  	v55 =	vld [tilespmem:s0+$0xFFFFFFE0];
	v1 =	vadd.f32 v1, v3;
	v3 =	vmul.f32 v5, v48;
	v5 =	vshll.u32 v49, $0x10  }
0x1d1: {  	v56 =	vld [tilespmem:s2+$0xFFFFFFF0];
	v7 =	vand.u32 $0xFFFF0000, v49;
	v5 =	vmul.f32 v5, v52;
	v2 =	vadd.f32 v2, v8  }
0x1d2: {  	v58 =	vld [tilespmem:s0+$0xFFFFFFF0];
	v57 =	vshll.u32 v53, $0x10;
	v1 =	vadd.f32 v3, v1;
	v3 =	vmul.f32 v7, v52  }
0x1d3: {  	v59 =	vld [tilespmem:s2+$0x0];
	v7 =	vmul.f32 v57, v4;
	v2 =	vadd.f32 v5, v2;
	v5 =	vand.u32 $0xFFFF0000, v53  }
0x1d4: {  	v1 =	vadd.f32 v3, v1;
	v3 =	vmul.f32 v5, v4;
	v4 =	vshll.u32 v54, $0x10;
	v5 =	vld [tilespmem:s0+$0x0]  }
0x1d5: {  	v60 =	vand.u32 $0xFFFF0000, v54;
	v2 =	vadd.f32 v7, v2;
	v4 =	vmul.f32 v4, v55  }
0x1d6: {  	v61 =	vshll.u32 v56, $0x10;
	v1 =	vadd.f32 v3, v1;
	v3 =	vmul.f32 v60, v55  }
0x1d7: {  	v62 =	vand.u32 $0xFFFF0000, v56;
	v2 =	vadd.f32 v4, v2;
	v4 =	vmul.f32 v61, v58  }
0x1d8: {  	v6 =	vmul.f32 v62, v58;
	v1 =	vadd.f32 v3, v1;
	v3 =	vshll.u32 v59, $0x10  }
0x1d9: {  	v4 =	vadd.f32 v4, v2;
	v63 =	vmul.f32 v3, v5;
	v3 =	vand.u32 $0xFFFF0000, v59  }
0x1da: {  	v2 =	vadd.f32 v6, v1;
	v3 =	vmul.f32 v3, v5  }
0x1db: {  	s8 =	simm.s32 $0x0;
	s11 =	simm.s32 $0xE0B0;
	s12 =	simm.s32 $0xE4B0;
	v1 =	vadd.f32 v63, v4  }
.LBB2_16:
0x1dc: {  	s8 =	sadd.s32 $0x2, s8;
	v2 =	vadd.f32 v3, v2;
	s0 =	sadd.s32 $0x100, s0;
	s2 =	sadd.s32 $0x100, s2  }
0x1dd: {  	p0 =	slt.u32 s8, $0x3E;
	[tilespmem:s5+$0x0] =	vst v1;
	s5 =	smov.u32 s11  }
0x1de: {  	[tilespmem:s13+$0x0] =	vst v2;
	s13 =	smov.u32 s12  }
0x1df: {  	v1 =	vld [tilespmem:s0+$0xFFFFFF10]  }
0x1e0: {  	v2 =	vld [tilespmem:s2+$0xFFFFFF10]  }
0x1e1: {  	v3 =	vld [tilespmem:s2+$0xFFFFFF20]  }
0x1e2: {  	v4 =	vld [tilespmem:s0+$0xFFFFFF20]  }
0x1e3: {  	v5 =	vld [tilespmem:s2+$0xFFFFFF30]  }
0x1e4: {  	v6 =	vld [tilespmem:s0+$0xFFFFFF30]  }
0x1e5: {  	v7 =	vshll.u32 v2, $0x10;
	v2 =	vand.u32 $0xFFFF0000, v2;
	v8 =	vld [tilespmem:s2+$0xFFFFFF40]  }
0x1e6: {  	v7 =	vmul.f32 v7, v1;
	v9 =	vshll.u32 v3, $0x10;
	v3 =	vand.u32 $0xFFFF0000, v3;
	v10 =	vld [tilespmem:s0+$0xFFFFFF40]  }
0x1e7: {  	v9 =	vmul.f32 v9, v4;
	v3 =	vmul.f32 v3, v4;
	v4 =	vld [tilespmem:s2+$0xFFFFFF50]  }
0x1e8: {  	v1 =	vmul.f32 v2, v1;
	v2 =	vshll.u32 v5, $0x10;
	v11 =	vld [tilespmem:s0+$0xFFFFFF50]  }
0x1e9: {  	v5 =	vand.u32 $0xFFFF0000, v5;
	v7 =	vadd.f32 v9, v7;
	v2 =	vmul.f32 v2, v6;
	v9 =	vld [tilespmem:s2+$0xFFFFFF60]  }
0x1ea: {  	v1 =	vadd.f32 v3, v1;
	v3 =	vmul.f32 v5, v6;
	v5 =	vshll.u32 v8, $0x10;
	v6 =	vld [tilespmem:s0+$0xFFFFFF60]  }
0x1eb: {  	v2 =	vadd.f32 v2, v7;
	v7 =	vand.u32 $0xFFFF0000, v8;
	v5 =	vmul.f32 v5, v10;
	v8 =	vld [tilespmem:s2+$0xFFFFFF70]  }
0x1ec: {  	v1 =	vadd.f32 v3, v1;
	v3 =	vmul.f32 v7, v10;
	v7 =	vshll.u32 v4, $0x10;
	v10 =	vld [tilespmem:s0+$0xFFFFFF70]  }
0x1ed: {  	v4 =	vand.u32 $0xFFFF0000, v4;
	v2 =	vadd.f32 v5, v2;
	v5 =	vmul.f32 v7, v11;
	v7 =	vld [tilespmem:s2+$0xFFFFFF80]  }
0x1ee: {  	v1 =	vadd.f32 v3, v1;
	v3 =	vmul.f32 v4, v11;
	v4 =	vshll.u32 v9, $0x10;
	v11 =	vld [tilespmem:s0+$0xFFFFFF80]  }
0x1ef: {  	v2 =	vadd.f32 v5, v2;
	v5 =	vand.u32 $0xFFFF0000, v9;
	v4 =	vmul.f32 v4, v6  }
0x1f0: {  	v1 =	vadd.f32 v3, v1;
	v3 =	vmul.f32 v5, v6;
	v5 =	vshll.u32 v8, $0x10  }
0x1f1: {  	v2 =	vadd.f32 v4, v2;
	v4 =	vand.u32 $0xFFFF0000, v8;
	v5 =	vmul.f32 v5, v10  }
0x1f2: {  	v1 =	vadd.f32 v3, v1;
	v3 =	vmul.f32 v4, v10;
	v4 =	vshll.u32 v7, $0x10  }
0x1f3: {  	v2 =	vadd.f32 v5, v2;
	v5 =	vand.u32 $0xFFFF0000, v7;
	v4 =	vmul.f32 v4, v11  }
0x1f4: {  	v1 =	vadd.f32 v3, v1;
	v3 =	vmul.f32 v5, v11  }
0x1f5: {  	v2 =	vadd.f32 v4, v2  }
0x1f6: {  	v1 =	vadd.f32 v3, v1  }
0x1f7: {  	[tilespmem:s11+$0xFFFFFFF0] =	vst v2  }
0x1f8: {  	[tilespmem:s12+$0xFFFFFFF0] =	vst v1  }
0x1f9: {  	v1 =	vld [tilespmem:s0+$0xFFFFFFA0]  }
0x1fa: {  	v2 =	vld [tilespmem:s2+$0xFFFFFFA0]  }
0x1fb: {  	v3 =	vld [tilespmem:s2+$0xFFFFFF90]  }
0x1fc: {  	v4 =	vld [tilespmem:s0+$0xFFFFFF90]  }
0x1fd: {  	v5 =	vld [tilespmem:s2+$0xFFFFFFB0]  }
0x1fe: {  	v6 =	vld [tilespmem:s0+$0xFFFFFFB0]  }
0x1ff: {  	v7 =	vshll.u32 v2, $0x10;
	v2 =	vand.u32 $0xFFFF0000, v2;
	v8 =	vld [tilespmem:s2+$0xFFFFFFC0]  }
0x200: {  	v9 =	vshll.u32 v3, $0x10;
	v3 =	vand.u32 $0xFFFF0000, v3;
	v7 =	vmul.f32 v7, v1;
	v10 =	vld [tilespmem:s0+$0xFFFFFFC0]  }
0x201: {  	v9 =	vmul.f32 v9, v4;
	v3 =	vmul.f32 v3, v4;
	v4 =	vld [tilespmem:s2+$0xFFFFFFD0]  }
0x202: {  	v1 =	vmul.f32 v2, v1;
	v2 =	vshll.u32 v5, $0x10;
	v11 =	vld [tilespmem:s0+$0xFFFFFFD0]  }
0x203: {  	v5 =	vand.u32 $0xFFFF0000, v5;
	v7 =	vadd.f32 v7, v9;
	v2 =	vmul.f32 v2, v6;
	v9 =	vld [tilespmem:s2+$0xFFFFFFE0]  }
0x204: {  	v1 =	vadd.f32 v1, v3;
	v3 =	vmul.f32 v5, v6;
	v5 =	vshll.u32 v8, $0x10;
	v6 =	vld [tilespmem:s0+$0xFFFFFFE0]  }
0x205: {  	v2 =	vadd.f32 v2, v7;
	v7 =	vand.u32 $0xFFFF0000, v8;
	v5 =	vmul.f32 v5, v10;
	v8 =	vld [tilespmem:s2+$0xFFFFFFF0]  }
0x206: {  	v1 =	vadd.f32 v3, v1;
	v3 =	vmul.f32 v7, v10;
	v7 =	vshll.u32 v4, $0x10;
	v10 =	vld [tilespmem:s0+$0xFFFFFFF0]  }
0x207: {  	v4 =	vand.u32 $0xFFFF0000, v4;
	v2 =	vadd.f32 v5, v2;
	v5 =	vmul.f32 v7, v11;
	v7 =	vld [tilespmem:s2+$0x0]  }
0x208: {  	v1 =	vadd.f32 v3, v1;
	v3 =	vmul.f32 v4, v11;
	v4 =	vshll.u32 v9, $0x10;
	v11 =	vld [tilespmem:s0+$0x0]  }
0x209: {  	v2 =	vadd.f32 v5, v2;
	v5 =	vand.u32 $0xFFFF0000, v9;
	v4 =	vmul.f32 v4, v6  }
0x20a: {  	v1 =	vadd.f32 v3, v1;
	v3 =	vmul.f32 v5, v6;
	v5 =	vshll.u32 v8, $0x10  }
.Ltmp8:
0x20b: {  	v2 =	vadd.f32 v4, v2;
	v4 =	vand.u32 $0xFFFF0000, v8;
	v5 =	vmul.f32 v5, v10;
	(pc) =	sbr.rel @p0 .LBB2_16-.Ltmp8, $4  }
0x20c: {  	v1 =	vadd.f32 v3, v1;
	v3 =	vmul.f32 v4, v10;
	v4 =	vshll.u32 v7, $0x10  }
0x20d: {  	v6 =	vand.u32 $0xFFFF0000, v7;
	v5 =	vadd.f32 v5, v2;
	v4 =	vmul.f32 v4, v11  }
0x20e: {  	v2 =	vadd.f32 v3, v1;
	v3 =	vmul.f32 v6, v11  }
0x20f: {  	s11 =	sadd.s32 $0x20, s11;
	s12 =	sadd.s32 $0x20, s12;
	v1 =	vadd.f32 v4, v5  }
0x210: {  	s0 =	rddreg [dreg:$0x7]  }
0x211: {  	v2 =	vadd.f32 v3, v2;
	s0 =	sor.u32 s0, s24  }
0x212: {  	[tilespmem:s5+$0x0] =	vst v1;
	s0 =	sshrl.u32 s0, $0x3  }
0x213: {  	s30 =	simm.s32 $0xE080;
	[tilespmem:s13+$0x0] =	vst v2;
	s2 =	sadd.s32 s6, s0  }
0x214: {  	[hbm4b:s2+s4] =	stream.linear.scatter [tilespmem:s30], [sflag:$0x2], $0x400, $0x38;
	[tilespmem:$0x1C880] =	vst v63  }
0x215: {  	_ =	swait.ge [sflag:s15], $0x400  }
0x216: {  	[sflag:s15] =	ssyncset.done $0x0;
	s31 =	rddreg [dreg:$0x8]  }
0x217: {  	[sflag:s15] =	ssyncadd.s32 $0xFFFFFC00;
	s0 =	sadd.s32 s0, s31  }
0x218: {  	[hbm4b:s0+s4] =	stream.linear.scatter [tilespmem:s20], [sflag:$0x2], $0x400, $0x38;
	[tilespmem:$0x1C880] =	vst v63  }
0x219: {  	_ =	swait.ge [sflag:s15], $0x400  }
0x21a: {  	s19 =	rddreg [dreg:$0xb]  }
0x21b: {  	s19 =	sadd.s32 $0x1, s19  }
0x21c: {  	p0 =	sne.s32 s19, $0x10  }
.Ltmp9:
0x21d: {  	_ = 	snop;
	(pc) =	sbr.rel @p0 .LBB2_2-.Ltmp9, $3  }
0x21e: {  	_ =	sdelay $0x1  }
0x21f: {  	[sflag:s15] =	ssyncset.done $0x0  }
0x220: {  	[sflag:s15] =	ssyncadd.s32 $0xFFFFFC00  }
0x221: {  	s2 =	rddreg [dreg:$0xa]  }
0x222: {  	s0 =	rddreg [dreg:$0x9];
	s2 =	sadd.s32 $0x1, s2  }
0x223: {  	p0 =	sne.s32 s2, s0  }
.Ltmp10:
0x224: {  	_ = 	snop;
	(pc) =	sbr.rel @p0 .LBB2_1-.Ltmp10, $1  }
0x225: {  	_ =	sdelay $0x3  }
0x226: {  	_ =	sfence.sel $0x180000  }
0x227: {  	[bflag:$0x0] =	sbarrier.arrive $0xFFFF  }
0x228: {  	_ =	strace $0x90000047  }
0x229: {  	s0 =	stileid.u32;
	[bflag:$0x2] =	sbarrier.arrive $0xFFFF  }
0x22a: {  	p0 =	sne.s32 s0, $0x0;
	s0 =	rddreg [dreg:$0x5]  }
0x22b: {  	s0 =	sadd.s32 @!p0 $0x100000, s0  }
0x22c: {  	[sflag:s0] =	ssyncadd.tile.s32 @!p0 $0x1;
	_ =	shalt  }
.Lfunc_end2:
_tile_overlayer_lowered:
.L_overlay_start_2:
0x22d: {  	(tag) =	ssettag $0x2  }
0x22e: {  	s0 =	rddreg [dreg:$0x0];
	s2 =	stileid.u32  }
0x22f: {  	s1 =	rddreg [dreg:$0x1];
	p0 =	sne.s32 s2, $0x0  }
0x230: {  	s3 =	rddreg [dreg:$0x2];
	[bflag:$0x3] =	sbarrier.arrive $0xFFFF;
	s2 =	simm.s32 @!p0 $0x1C02  }
0x231: {  	[timem:s3], [sflag:s2] =	dma.local @!p0 [hbm:s0], s1  }
0x232: {  	s0 =	simm.s32 @!p0 $0x2  }
0x233: {  	_ =	swait.ge @!p0 [sflag:s0], s1  }
0x234: {  	s1 =	ssub.s32 @!p0 $0x0, s1;
	[sflag:s0] =	ssyncset.done @!p0 $0x0  }
0x235: {  	[sflag:s0] =	ssyncadd.s32 @!p0 s1  }
0x236: {  	[bflag:$0x3] =	sbarrier.arrive $0xFFFF  }
0x237: {  	_ =	shalt  }

</sc_bundles>
